<compile_context>
chip_gen: v7x
topology: tpu7x:2x2x1
jax: 0.10.2.dev20260603
libtpu: 0.0.44.dev20260713+nightly
codegen_flags: <defaults>
</compile_context>

<pallas_src>
import functools

import jax
import jax.numpy as jnp
from jax import lax
from jax.experimental import pallas as pl
from jax.experimental.pallas import tpu as pltpu
from jax.experimental.pallas import tpu_sc as plsc

B, N, D_IN = 16, 1024, 64
M = B * N
D_EMB = 32
V = 8192
TW = 128

TM = 1024
SUB = 128
NSUB = V // SUB
GRID = M // TM
G = 4
VC = 512
LOSS_SCALE = 2.0 / (M * D_EMB)


def _argmin_body(z_ref, wint_ref, cbt_ref, cb_ref, woutt_ref,
                 idx_ref, t_ref, loss_ref, cbt2_ref, cn_ref, zin_ref):
    i = pl.program_id(0)

    @pl.when(i == 0)
    def _():
        loss_ref[...] = jnp.zeros((1, 1), jnp.float32)
        def cbody(c, carry):
            rows = cb_ref[pl.ds(c * VC, VC), :]
            co = jnp.dot(rows, woutt_ref[...])
            t_ref[pl.ds(c * VC, VC), :] = jnp.concatenate(
                [co, jnp.zeros((VC, TW - D_IN), jnp.float32)], axis=1)
            return carry

        lax.fori_loop(0, V // VC, cbody, 0)
        cbt = cbt_ref[...]
        cbt2_ref[...] = cbt + cbt
        cn = jnp.sum(cbt * cbt, axis=0, keepdims=True)
        cn_ref[...] = jnp.broadcast_to(cn, (8, V))

    z = z_ref[...]
    z_in = jnp.dot(z, wint_ref[...])
    zn = jnp.sum(z_in * z_in, axis=1, keepdims=True)
    znb = jnp.broadcast_to(zn, (TM, SUB)).reshape(TM // 8, 8, SUB)

    def chunk_dist(j):
        cbt2 = cbt2_ref[:, pl.ds(j * SUB, SUB)]
        cn8 = cn_ref[:, pl.ds(j * SUB, SUB)].reshape(1, 8, SUB)
        zc2 = jnp.dot(z_in, cbt2).reshape(TM // 8, 8, SUB)
        return (znb + cn8) - zc2

    def body(j, carry):
        mv, mj = carry
        dist = chunk_dist(j)
        better = dist < mv
        return (jnp.where(better, dist, mv),
                jnp.where(better, j, mj))

    mv0 = jnp.full((TM // 8, 8, SUB), jnp.inf, jnp.float32)
    mj0 = jnp.zeros((TM // 8, 8, SUB), jnp.int32)
    mv3, mj3 = lax.fori_loop(0, NSUB, body, (mv0, mj0), unroll=NSUB)
    mv, mj = mv3.reshape(TM, SUB), mj3.reshape(TM, SUB)

    lv = jnp.min(mv, axis=1, keepdims=True)
    lanes = lax.broadcasted_iota(jnp.int32, (TM, SUB), 1)
    cand = jnp.where(mv == lv, mj * SUB + lanes, 2**31 - 1)
    idx_ref[...] = jnp.min(cand, axis=1, keepdims=True)
    loss_ref[...] += jnp.sum(lv).reshape(1, 1)

    @pl.when(i == pl.num_programs(0) - 1)
    def _():
        loss_ref[...] *= LOSS_SCALE


def _run_argmin(zf, wint, cbt, cb, woutt):
    return pl.pallas_call(
        _argmin_body,
        grid=(GRID,),
        in_specs=[
            pl.BlockSpec((TM, D_IN), lambda i: (i, 0)),
            pl.BlockSpec((D_IN, D_EMB), lambda i: (0, 0)),
            pl.BlockSpec((D_EMB, V), lambda i: (0, 0)),
            pl.BlockSpec((V, D_EMB), lambda i: (0, 0)),
            pl.BlockSpec((D_EMB, D_IN), lambda i: (0, 0)),
        ],
        out_specs=[
            pl.BlockSpec((TM, 1), lambda i: (i, 0)),
            pl.BlockSpec((V, TW), lambda i: (0, 0)),
            pl.BlockSpec((1, 1), lambda i: (0, 0)),
        ],
        out_shape=[
            jax.ShapeDtypeStruct((M, 1), jnp.int32),
            jax.ShapeDtypeStruct((V, TW), jnp.float32),
            jax.ShapeDtypeStruct((1, 1), jnp.float32),
        ],
        scratch_shapes=[
            pltpu.VMEM((D_EMB, V), jnp.float32),
            pltpu.VMEM((8, V), jnp.float32),
            pltpu.VMEM((TM, D_EMB), jnp.float32),
        ],
    )(zf, wint, cbt, cb, woutt)


NC, NS = 2, 16
NW = NC * NS
B_PER_W = M // NW
KCH = B_PER_W // 128


def _gather_body(table_hbm, idx_hbm, out_hbm, idx_v, rows_v, sem):
    wid = lax.axis_index("s") * NC + lax.axis_index("c")
    pltpu.sync_copy(idx_hbm.at[wid], idx_v)
    copies = [
        pltpu.async_copy(table_hbm.at[idx_v.at[j]], rows_v.at[j], sem)
        for j in range(KCH)
    ]
    for cp in copies:
        cp.wait()
    pltpu.sync_copy(rows_v, out_hbm.at[wid])


def _run_gather(table, idx3d):
    mesh = plsc.VectorSubcoreMesh(core_axis_name="c", subcore_axis_name="s")
    k = functools.partial(
        pl.kernel,
        mesh=mesh,
        out_type=jax.ShapeDtypeStruct((NW, KCH, 128, TW), jnp.float32),
        scratch_types=[
            pltpu.VMEM((KCH, 128), jnp.int32),
            pltpu.VMEM((KCH, 128, TW), jnp.float32),
            pltpu.SemaphoreType.DMA,
        ],
    )(_gather_body)
    return k(table, idx3d)


def kernel(z, codebook, W_in, W_out):
    zf = z.reshape(M, D_IN)
    idx2, table, loss = _run_argmin(zf, W_in.T, codebook.T, codebook, W_out.T)
    idx3d = idx2.reshape(NW, KCH, 128)
    rows = _run_gather(table, idx3d).reshape(M, TW)
    out = rows[:, :D_IN]
    return (out.reshape(B, N, D_IN),
            idx2.reshape(B, N),
            loss[0, 0])

# --- scband reference (transcript-rebuilt; emitter-appended) ---
"""Pipeline reference for scband-vector-quantizer-24206435680854 (READ-ONLY COPY).

The authoritative reference and input builder live on the scoring server;
editing this copy changes nothing except your own understanding.
"""

import jax, jax.numpy as jnp
import numpy as np


def setup_inputs(seed: int = 0) -> dict:
    key = jax.random.key(seed)
    k1, k2, k3, k4 = jax.random.split(key, 4)
    z = jax.random.normal(k1, (16, 1024, 64), dtype=jnp.float32)
    codebook = jax.random.normal(k2, (8192, 32), dtype=jnp.float32)
    # torch nn.Linear(in_ch=64, emb_ch=32, bias=False): weight shape [32, 64]
    W_in = jax.random.normal(k3, (32, 64), dtype=jnp.float32) * (1.0 / np.sqrt(64))
    # torch nn.Linear(emb_ch=32, in_ch=64, bias=False): weight shape [64, 32]
    W_out = jax.random.normal(k4, (64, 32), dtype=jnp.float32) * (1.0 / np.sqrt(32))
    return {"z": z, "codebook": codebook, "W_in": W_in, "W_out": W_out}


def reference(z, codebook, W_in, W_out):
    commitment_weight = 1.0
    # linear_in
    z_in = jnp.einsum('bni,oi->bno', z, W_in)
    # _comp_distance against codebook weights (data, no grad)
    v = codebook
    dist = (jnp.sum(z_in ** 2, axis=-1, keepdims=True)
            + jnp.sum(v ** 2, axis=-1)
            - 2.0 * jnp.einsum('bnc,cs->bns', z_in, v.T))
    min_encoding_indices = jnp.argmin(dist, axis=-1)
    # codebook lookup (embedding gather)
    z_q = jnp.take(codebook, min_encoding_indices, axis=0)
    loss = (commitment_weight * jnp.mean((jax.lax.stop_gradient(z_q) - z_in) ** 2)
            + jnp.mean((z_q - jax.lax.stop_gradient(z_in)) ** 2))
    # straight-through estimator
    z_st = z_in + jax.lax.stop_gradient(z_q - z_in)
    # linear_out
    out = jnp.einsum('bnc,oc->bno', z_st, W_out)
    return (out, min_encoding_indices, loss)

if __name__ == "__main__":
    import jax
    _d = setup_inputs()
    print(jax.jit(kernel)(*tuple(_d.values())))

</pallas_src>

<mosaic_0001>
#map = affine_map<(d0, d1) -> (0, 0)>
#map1 = affine_map<(d0, d1) -> (0, 0, 0)>
#map2 = affine_map<(d0, d1) -> (0, 0, 0, 0)>
module attributes {stable_mosaic.version = 14 : i64} {
  func.func @_gather_body(%arg0: i32, %arg1: i32, %arg2: memref<8192x128xf32, #tpu.memory_space<hbm>>, %arg3: memref<32x4x128xi32, #tpu.memory_space<hbm>>, %arg4: memref<32x4x128x128xf32, #tpu.memory_space<hbm>>, %arg5: memref<4x128xi32, #tpu.memory_space<vmem>>, %arg6: memref<4x128x128xf32, #tpu.memory_space<vmem>>, %arg7: memref<!tpu.dma_semaphore, #tpu.memory_space<semaphore_mem>>) attributes {dimension_semantics = [#tpu.dimension_semantics<core_parallel>, #tpu.dimension_semantics<subcore_parallel>], iteration_bounds = array<i64: 2, 16>, scalar_prefetch = 0 : i64, scratch_operands = 3 : i64, tpu.core_type = #tpu.core_type<sc_vector_subcore>, window_params = [{transform_indices = #map}, {transform_indices = #map1}, {transform_indices = #map2}]} {
    %mul3A = arith.constant 2 : i32
    %mul3A_0 = arith.muli %arg1, %mul3A : i32
    %add3A = arith.addi %mul3A_0, %arg0 : i32
    "tpu.region"() ({
      %run_scoped3A = tpu.sem_alloc : memref<!tpu.dma_semaphore, #tpu.memory_space<semaphore_mem>>
      %dma_start3A_95 = arith.constant 0 : i32
      %dma_start3A_96 = arith.constant 0 : i32
      %dma_start3A_97 = tpu.memref_slice %arg3[%add3A, %dma_start3A_95, %dma_start3A_96] : memref<32x4x128xi32, #tpu.memory_space<hbm>> -> memref<1x4x128xi32, #tpu.memory_space<hbm>>
      %dma_start3A_98 = tpu.memref_squeeze %dma_start3A_97 : memref<1x4x128xi32, #tpu.memory_space<hbm>> -> memref<4x128xi32, #tpu.memory_space<hbm>>
      %dma_start3A_99 = arith.constant 0 : i32
      %dma_start3A_100 = arith.constant 0 : i32
      %dma_start3A_101 = tpu.memref_slice %arg3[%add3A, %dma_start3A_99, %dma_start3A_100] : memref<32x4x128xi32, #tpu.memory_space<hbm>> -> memref<1x4x128xi32, #tpu.memory_space<hbm>>
      %dma_start3A_102 = tpu.memref_squeeze %dma_start3A_101 : memref<1x4x128xi32, #tpu.memory_space<hbm>> -> memref<4x128xi32, #tpu.memory_space<hbm>>
      tpu.enqueue_dma source(%dma_start3A_102 : memref<4x128xi32, #tpu.memory_space<hbm>>) target(%arg5 : memref<4x128xi32, #tpu.memory_space<vmem>>) target_semaphore(%run_scoped3A : memref<!tpu.dma_semaphore, #tpu.memory_space<semaphore_mem>>)
      %dma_wait3A_103 = arith.constant 0 : i32
      %dma_wait3A_104 = arith.constant 0 : i32
      %dma_wait3A_105 = tpu.memref_slice %arg3[%add3A, %dma_wait3A_103, %dma_wait3A_104] : memref<32x4x128xi32, #tpu.memory_space<hbm>> -> memref<1x4x128xi32, #tpu.memory_space<hbm>>
      %dma_wait3A_106 = tpu.memref_squeeze %dma_wait3A_105 : memref<1x4x128xi32, #tpu.memory_space<hbm>> -> memref<4x128xi32, #tpu.memory_space<hbm>>
      %dma_wait3A_107 = arith.constant 0 : i32
      %dma_wait3A_108 = arith.constant 0 : i32
      %dma_wait3A_109 = tpu.memref_slice %arg3[%add3A, %dma_wait3A_107, %dma_wait3A_108] : memref<32x4x128xi32, #tpu.memory_space<hbm>> -> memref<1x4x128xi32, #tpu.memory_space<hbm>>
      %dma_wait3A_110 = tpu.memref_squeeze %dma_wait3A_109 : memref<1x4x128xi32, #tpu.memory_space<hbm>> -> memref<4x128xi32, #tpu.memory_space<hbm>>
      tpu.wait_dma2 semaphore(%run_scoped3A : memref<!tpu.dma_semaphore, #tpu.memory_space<semaphore_mem>>) src(%dma_wait3A_110 : memref<4x128xi32, #tpu.memory_space<hbm>>) dst(%arg5 : memref<4x128xi32, #tpu.memory_space<vmem>>)
      tpu.yield
    }) : () -> ()
    %dma_start3A = arith.constant 0 : i32
    %dma_start3A_1 = arith.constant 0 : i32
    %dma_start3A_2 = arith.constant 0 : i32
    %dma_start3A_3 = arith.constant 0 : i32
    %dma_start3A_4 = tpu.memref_slice %arg6[%dma_start3A_1, %dma_start3A_2, %dma_start3A_3] : memref<4x128x128xf32, #tpu.memory_space<vmem>> -> memref<1x128x128xf32, #tpu.memory_space<vmem>>
    %dma_start3A_5 = tpu.memref_squeeze %dma_start3A_4 : memref<1x128x128xf32, #tpu.memory_space<vmem>> -> memref<128x128xf32, #tpu.memory_space<vmem>>
    %dma_start3A_6 = arith.constant 0 : i32
    %dma_start3A_7 = tpu.memref_slice %arg5[%dma_start3A, %dma_start3A_6] : memref<4x128xi32, #tpu.memory_space<vmem>> -> memref<1x128xi32, #tpu.memory_space<vmem>>
    %dma_start3A_8 = tpu.memref_squeeze %dma_start3A_7 : memref<1x128xi32, #tpu.memory_space<vmem>> -> memref<128xi32, #tpu.memory_space<vmem>>
    %dma_start3A_9 = arith.constant 0 : i32
    %dma_start3A_10 = arith.constant 0 : i32
    %dma_start3A_11 = tpu.memref_slice %arg2[%dma_start3A_9, %dma_start3A_10] : memref<8192x128xf32, #tpu.memory_space<hbm>> -> memref<8192x128xf32, #tpu.memory_space<hbm>>
    tpu.enqueue_indirect_dma source(%dma_start3A_11 : memref<8192x128xf32, #tpu.memory_space<hbm>>) target(%dma_start3A_5 : memref<128x128xf32, #tpu.memory_space<vmem>>) offsets(%dma_start3A_8 : memref<128xi32, #tpu.memory_space<vmem>>) semaphore(%arg7 : memref<!tpu.dma_semaphore, #tpu.memory_space<semaphore_mem>>)
    %dma_start3A_12 = arith.constant 1 : i32
    %dma_start3A_13 = arith.constant 1 : i32
    %dma_start3A_14 = arith.constant 0 : i32
    %dma_start3A_15 = arith.constant 0 : i32
    %dma_start3A_16 = tpu.memref_slice %arg6[%dma_start3A_13, %dma_start3A_14, %dma_start3A_15] : memref<4x128x128xf32, #tpu.memory_space<vmem>> -> memref<1x128x128xf32, #tpu.memory_space<vmem>>
    %dma_start3A_17 = tpu.memref_squeeze %dma_start3A_16 : memref<1x128x128xf32, #tpu.memory_space<vmem>> -> memref<128x128xf32, #tpu.memory_space<vmem>>
    %dma_start3A_18 = arith.constant 0 : i32
    %dma_start3A_19 = tpu.memref_slice %arg5[%dma_start3A_12, %dma_start3A_18] : memref<4x128xi32, #tpu.memory_space<vmem>> -> memref<1x128xi32, #tpu.memory_space<vmem>>
    %dma_start3A_20 = tpu.memref_squeeze %dma_start3A_19 : memref<1x128xi32, #tpu.memory_space<vmem>> -> memref<128xi32, #tpu.memory_space<vmem>>
    %dma_start3A_21 = arith.constant 0 : i32
    %dma_start3A_22 = arith.constant 0 : i32
    %dma_start3A_23 = tpu.memref_slice %arg2[%dma_start3A_21, %dma_start3A_22] : memref<8192x128xf32, #tpu.memory_space<hbm>> -> memref<8192x128xf32, #tpu.memory_space<hbm>>
    tpu.enqueue_indirect_dma source(%dma_start3A_23 : memref<8192x128xf32, #tpu.memory_space<hbm>>) target(%dma_start3A_17 : memref<128x128xf32, #tpu.memory_space<vmem>>) offsets(%dma_start3A_20 : memref<128xi32, #tpu.memory_space<vmem>>) semaphore(%arg7 : memref<!tpu.dma_semaphore, #tpu.memory_space<semaphore_mem>>)
    %dma_start3A_24 = arith.constant 2 : i32
    %dma_start3A_25 = arith.constant 2 : i32
    %dma_start3A_26 = arith.constant 0 : i32
    %dma_start3A_27 = arith.constant 0 : i32
    %dma_start3A_28 = tpu.memref_slice %arg6[%dma_start3A_25, %dma_start3A_26, %dma_start3A_27] : memref<4x128x128xf32, #tpu.memory_space<vmem>> -> memref<1x128x128xf32, #tpu.memory_space<vmem>>
    %dma_start3A_29 = tpu.memref_squeeze %dma_start3A_28 : memref<1x128x128xf32, #tpu.memory_space<vmem>> -> memref<128x128xf32, #tpu.memory_space<vmem>>
    %dma_start3A_30 = arith.constant 0 : i32
    %dma_start3A_31 = tpu.memref_slice %arg5[%dma_start3A_24, %dma_start3A_30] : memref<4x128xi32, #tpu.memory_space<vmem>> -> memref<1x128xi32, #tpu.memory_space<vmem>>
    %dma_start3A_32 = tpu.memref_squeeze %dma_start3A_31 : memref<1x128xi32, #tpu.memory_space<vmem>> -> memref<128xi32, #tpu.memory_space<vmem>>
    %dma_start3A_33 = arith.constant 0 : i32
    %dma_start3A_34 = arith.constant 0 : i32
    %dma_start3A_35 = tpu.memref_slice %arg2[%dma_start3A_33, %dma_start3A_34] : memref<8192x128xf32, #tpu.memory_space<hbm>> -> memref<8192x128xf32, #tpu.memory_space<hbm>>
    tpu.enqueue_indirect_dma source(%dma_start3A_35 : memref<8192x128xf32, #tpu.memory_space<hbm>>) target(%dma_start3A_29 : memref<128x128xf32, #tpu.memory_space<vmem>>) offsets(%dma_start3A_32 : memref<128xi32, #tpu.memory_space<vmem>>) semaphore(%arg7 : memref<!tpu.dma_semaphore, #tpu.memory_space<semaphore_mem>>)
    %dma_start3A_36 = arith.constant 3 : i32
    %dma_start3A_37 = arith.constant 3 : i32
    %dma_start3A_38 = arith.constant 0 : i32
    %dma_start3A_39 = arith.constant 0 : i32
    %dma_start3A_40 = tpu.memref_slice %arg6[%dma_start3A_37, %dma_start3A_38, %dma_start3A_39] : memref<4x128x128xf32, #tpu.memory_space<vmem>> -> memref<1x128x128xf32, #tpu.memory_space<vmem>>
    %dma_start3A_41 = tpu.memref_squeeze %dma_start3A_40 : memref<1x128x128xf32, #tpu.memory_space<vmem>> -> memref<128x128xf32, #tpu.memory_space<vmem>>
    %dma_start3A_42 = arith.constant 0 : i32
    %dma_start3A_43 = tpu.memref_slice %arg5[%dma_start3A_36, %dma_start3A_42] : memref<4x128xi32, #tpu.memory_space<vmem>> -> memref<1x128xi32, #tpu.memory_space<vmem>>
    %dma_start3A_44 = tpu.memref_squeeze %dma_start3A_43 : memref<1x128xi32, #tpu.memory_space<vmem>> -> memref<128xi32, #tpu.memory_space<vmem>>
    %dma_start3A_45 = arith.constant 0 : i32
    %dma_start3A_46 = arith.constant 0 : i32
    %dma_start3A_47 = tpu.memref_slice %arg2[%dma_start3A_45, %dma_start3A_46] : memref<8192x128xf32, #tpu.memory_space<hbm>> -> memref<8192x128xf32, #tpu.memory_space<hbm>>
    tpu.enqueue_indirect_dma source(%dma_start3A_47 : memref<8192x128xf32, #tpu.memory_space<hbm>>) target(%dma_start3A_41 : memref<128x128xf32, #tpu.memory_space<vmem>>) offsets(%dma_start3A_44 : memref<128xi32, #tpu.memory_space<vmem>>) semaphore(%arg7 : memref<!tpu.dma_semaphore, #tpu.memory_space<semaphore_mem>>)
    %dma_wait3A = arith.constant 0 : i32
    %dma_wait3A_48 = arith.constant 0 : i32
    %dma_wait3A_49 = arith.constant 0 : i32
    %dma_wait3A_50 = arith.constant 0 : i32
    %dma_wait3A_51 = tpu.memref_slice %arg6[%dma_wait3A_48, %dma_wait3A_49, %dma_wait3A_50] : memref<4x128x128xf32, #tpu.memory_space<vmem>> -> memref<1x128x128xf32, #tpu.memory_space<vmem>>
    %dma_wait3A_52 = tpu.memref_squeeze %dma_wait3A_51 : memref<1x128x128xf32, #tpu.memory_space<vmem>> -> memref<128x128xf32, #tpu.memory_space<vmem>>
    %dma_wait3A_53 = arith.constant 0 : i32
    %dma_wait3A_54 = tpu.memref_slice %arg5[%dma_wait3A, %dma_wait3A_53] : memref<4x128xi32, #tpu.memory_space<vmem>> -> memref<1x128xi32, #tpu.memory_space<vmem>>
    %dma_wait3A_55 = tpu.memref_squeeze %dma_wait3A_54 : memref<1x128xi32, #tpu.memory_space<vmem>> -> memref<128xi32, #tpu.memory_space<vmem>>
    %dma_wait3A_56 = arith.constant 0 : i32
    %dma_wait3A_57 = arith.constant 0 : i32
    %dma_wait3A_58 = tpu.memref_slice %arg2[%dma_wait3A_56, %dma_wait3A_57] : memref<8192x128xf32, #tpu.memory_space<hbm>> -> memref<8192x128xf32, #tpu.memory_space<hbm>>
    tpu.wait_indirect_dma semaphore(%arg7 : memref<!tpu.dma_semaphore, #tpu.memory_space<semaphore_mem>>) src(%dma_wait3A_58 : memref<8192x128xf32, #tpu.memory_space<hbm>>) dst(%dma_wait3A_52 : memref<128x128xf32, #tpu.memory_space<vmem>>)
    %dma_wait3A_59 = arith.constant 1 : i32
    %dma_wait3A_60 = arith.constant 1 : i32
    %dma_wait3A_61 = arith.constant 0 : i32
    %dma_wait3A_62 = arith.constant 0 : i32
    %dma_wait3A_63 = tpu.memref_slice %arg6[%dma_wait3A_60, %dma_wait3A_61, %dma_wait3A_62] : memref<4x128x128xf32, #tpu.memory_space<vmem>> -> memref<1x128x128xf32, #tpu.memory_space<vmem>>
    %dma_wait3A_64 = tpu.memref_squeeze %dma_wait3A_63 : memref<1x128x128xf32, #tpu.memory_space<vmem>> -> memref<128x128xf32, #tpu.memory_space<vmem>>
    %dma_wait3A_65 = arith.constant 0 : i32
    %dma_wait3A_66 = tpu.memref_slice %arg5[%dma_wait3A_59, %dma_wait3A_65] : memref<4x128xi32, #tpu.memory_space<vmem>> -> memref<1x128xi32, #tpu.memory_space<vmem>>
    %dma_wait3A_67 = tpu.memref_squeeze %dma_wait3A_66 : memref<1x128xi32, #tpu.memory_space<vmem>> -> memref<128xi32, #tpu.memory_space<vmem>>
    %dma_wait3A_68 = arith.constant 0 : i32
    %dma_wait3A_69 = arith.constant 0 : i32
    %dma_wait3A_70 = tpu.memref_slice %arg2[%dma_wait3A_68, %dma_wait3A_69] : memref<8192x128xf32, #tpu.memory_space<hbm>> -> memref<8192x128xf32, #tpu.memory_space<hbm>>
    tpu.wait_indirect_dma semaphore(%arg7 : memref<!tpu.dma_semaphore, #tpu.memory_space<semaphore_mem>>) src(%dma_wait3A_70 : memref<8192x128xf32, #tpu.memory_space<hbm>>) dst(%dma_wait3A_64 : memref<128x128xf32, #tpu.memory_space<vmem>>)
    %dma_wait3A_71 = arith.constant 2 : i32
    %dma_wait3A_72 = arith.constant 2 : i32
    %dma_wait3A_73 = arith.constant 0 : i32
    %dma_wait3A_74 = arith.constant 0 : i32
    %dma_wait3A_75 = tpu.memref_slice %arg6[%dma_wait3A_72, %dma_wait3A_73, %dma_wait3A_74] : memref<4x128x128xf32, #tpu.memory_space<vmem>> -> memref<1x128x128xf32, #tpu.memory_space<vmem>>
    %dma_wait3A_76 = tpu.memref_squeeze %dma_wait3A_75 : memref<1x128x128xf32, #tpu.memory_space<vmem>> -> memref<128x128xf32, #tpu.memory_space<vmem>>
    %dma_wait3A_77 = arith.constant 0 : i32
    %dma_wait3A_78 = tpu.memref_slice %arg5[%dma_wait3A_71, %dma_wait3A_77] : memref<4x128xi32, #tpu.memory_space<vmem>> -> memref<1x128xi32, #tpu.memory_space<vmem>>
    %dma_wait3A_79 = tpu.memref_squeeze %dma_wait3A_78 : memref<1x128xi32, #tpu.memory_space<vmem>> -> memref<128xi32, #tpu.memory_space<vmem>>
    %dma_wait3A_80 = arith.constant 0 : i32
    %dma_wait3A_81 = arith.constant 0 : i32
    %dma_wait3A_82 = tpu.memref_slice %arg2[%dma_wait3A_80, %dma_wait3A_81] : memref<8192x128xf32, #tpu.memory_space<hbm>> -> memref<8192x128xf32, #tpu.memory_space<hbm>>
    tpu.wait_indirect_dma semaphore(%arg7 : memref<!tpu.dma_semaphore, #tpu.memory_space<semaphore_mem>>) src(%dma_wait3A_82 : memref<8192x128xf32, #tpu.memory_space<hbm>>) dst(%dma_wait3A_76 : memref<128x128xf32, #tpu.memory_space<vmem>>)
    %dma_wait3A_83 = arith.constant 3 : i32
    %dma_wait3A_84 = arith.constant 3 : i32
    %dma_wait3A_85 = arith.constant 0 : i32
    %dma_wait3A_86 = arith.constant 0 : i32
    %dma_wait3A_87 = tpu.memref_slice %arg6[%dma_wait3A_84, %dma_wait3A_85, %dma_wait3A_86] : memref<4x128x128xf32, #tpu.memory_space<vmem>> -> memref<1x128x128xf32, #tpu.memory_space<vmem>>
    %dma_wait3A_88 = tpu.memref_squeeze %dma_wait3A_87 : memref<1x128x128xf32, #tpu.memory_space<vmem>> -> memref<128x128xf32, #tpu.memory_space<vmem>>
    %dma_wait3A_89 = arith.constant 0 : i32
    %dma_wait3A_90 = tpu.memref_slice %arg5[%dma_wait3A_83, %dma_wait3A_89] : memref<4x128xi32, #tpu.memory_space<vmem>> -> memref<1x128xi32, #tpu.memory_space<vmem>>
    %dma_wait3A_91 = tpu.memref_squeeze %dma_wait3A_90 : memref<1x128xi32, #tpu.memory_space<vmem>> -> memref<128xi32, #tpu.memory_space<vmem>>
    %dma_wait3A_92 = arith.constant 0 : i32
    %dma_wait3A_93 = arith.constant 0 : i32
    %dma_wait3A_94 = tpu.memref_slice %arg2[%dma_wait3A_92, %dma_wait3A_93] : memref<8192x128xf32, #tpu.memory_space<hbm>> -> memref<8192x128xf32, #tpu.memory_space<hbm>>
    tpu.wait_indirect_dma semaphore(%arg7 : memref<!tpu.dma_semaphore, #tpu.memory_space<semaphore_mem>>) src(%dma_wait3A_94 : memref<8192x128xf32, #tpu.memory_space<hbm>>) dst(%dma_wait3A_88 : memref<128x128xf32, #tpu.memory_space<vmem>>)
    "tpu.region"() ({
      %run_scoped3A = tpu.sem_alloc : memref<!tpu.dma_semaphore, #tpu.memory_space<semaphore_mem>>
      %dma_start3A_95 = arith.constant 0 : i32
      %dma_start3A_96 = arith.constant 0 : i32
      %dma_start3A_97 = arith.constant 0 : i32
      %dma_start3A_98 = tpu.memref_slice %arg4[%add3A, %dma_start3A_95, %dma_start3A_96, %dma_start3A_97] : memref<32x4x128x128xf32, #tpu.memory_space<hbm>> -> memref<1x4x128x128xf32, #tpu.memory_space<hbm>>
      %dma_start3A_99 = tpu.memref_squeeze %dma_start3A_98 : memref<1x4x128x128xf32, #tpu.memory_space<hbm>> -> memref<4x128x128xf32, #tpu.memory_space<hbm>>
      %dma_start3A_100 = arith.constant 0 : i32
      %dma_start3A_101 = arith.constant 0 : i32
      %dma_start3A_102 = arith.constant 0 : i32
      %dma_start3A_103 = tpu.memref_slice %arg4[%add3A, %dma_start3A_100, %dma_start3A_101, %dma_start3A_102] : memref<32x4x128x128xf32, #tpu.memory_space<hbm>> -> memref<1x4x128x128xf32, #tpu.memory_space<hbm>>
      %dma_start3A_104 = tpu.memref_squeeze %dma_start3A_103 : memref<1x4x128x128xf32, #tpu.memory_space<hbm>> -> memref<4x128x128xf32, #tpu.memory_space<hbm>>
      tpu.enqueue_dma source(%arg6 : memref<4x128x128xf32, #tpu.memory_space<vmem>>) target(%dma_start3A_104 : memref<4x128x128xf32, #tpu.memory_space<hbm>>) target_semaphore(%run_scoped3A : memref<!tpu.dma_semaphore, #tpu.memory_space<semaphore_mem>>)
      %dma_wait3A_105 = arith.constant 0 : i32
      %dma_wait3A_106 = arith.constant 0 : i32
      %dma_wait3A_107 = arith.constant 0 : i32
      %dma_wait3A_108 = tpu.memref_slice %arg4[%add3A, %dma_wait3A_105, %dma_wait3A_106, %dma_wait3A_107] : memref<32x4x128x128xf32, #tpu.memory_space<hbm>> -> memref<1x4x128x128xf32, #tpu.memory_space<hbm>>
      %dma_wait3A_109 = tpu.memref_squeeze %dma_wait3A_108 : memref<1x4x128x128xf32, #tpu.memory_space<hbm>> -> memref<4x128x128xf32, #tpu.memory_space<hbm>>
      %dma_wait3A_110 = arith.constant 0 : i32
      %dma_wait3A_111 = arith.constant 0 : i32
      %dma_wait3A_112 = arith.constant 0 : i32
      %dma_wait3A_113 = tpu.memref_slice %arg4[%add3A, %dma_wait3A_110, %dma_wait3A_111, %dma_wait3A_112] : memref<32x4x128x128xf32, #tpu.memory_space<hbm>> -> memref<1x4x128x128xf32, #tpu.memory_space<hbm>>
      %dma_wait3A_114 = tpu.memref_squeeze %dma_wait3A_113 : memref<1x4x128x128xf32, #tpu.memory_space<hbm>> -> memref<4x128x128xf32, #tpu.memory_space<hbm>>
      tpu.wait_dma2 semaphore(%run_scoped3A : memref<!tpu.dma_semaphore, #tpu.memory_space<semaphore_mem>>) src(%arg6 : memref<4x128x128xf32, #tpu.memory_space<vmem>>) dst(%dma_wait3A_114 : memref<4x128x128xf32, #tpu.memory_space<hbm>>)
      tpu.yield
    }) : () -> ()
    return
  }
}

module attributes {stable_mosaic.version = 14 : i64} {
  func.func @_argmin_body(%arg0: i32, %arg1: memref<1024x64xf32, #tpu.memory_space<vmem>>, %arg2: memref<64x32xf32, #tpu.memory_space<vmem>>, %arg3: memref<32x8192xf32, #tpu.memory_space<vmem>>, %arg4: memref<8192x32xf32, #tpu.memory_space<vmem>>, %arg5: memref<32x64xf32, #tpu.memory_space<vmem>>, %arg6: memref<1024x1xi32, #tpu.memory_space<vmem>>, %arg7: memref<8192x128xf32, #tpu.memory_space<vmem>>, %arg8: memref<1x1xf32, #tpu.memory_space<vmem>>, %arg9: memref<32x8192xf32, #tpu.memory_space<vmem>>, %arg10: memref<8x8192xf32, #tpu.memory_space<vmem>>, %arg11: memref<1024x32xf32, #tpu.memory_space<vmem>>) attributes {dimension_semantics = [#tpu.dimension_semantics<arbitrary>], iteration_bounds = array<i64: 16>, scalar_prefetch = 0 : i64, scratch_operands = 3 : i64, tpu.core_type = #tpu.core_type<tc>, window_params = [{transform_indices = @transform_0, window_bounds = array<i64: 1024, 64>}, {pipeline_mode = #tpu.pipeline_mode<synchronous>, transform_indices = @transform_1, window_bounds = array<i64: 64, 32>}, {pipeline_mode = #tpu.pipeline_mode<synchronous>, transform_indices = @transform_2, window_bounds = array<i64: 32, 8192>}, {pipeline_mode = #tpu.pipeline_mode<synchronous>, transform_indices = @transform_3, window_bounds = array<i64: 8192, 32>}, {pipeline_mode = #tpu.pipeline_mode<synchronous>, transform_indices = @transform_4, window_bounds = array<i64: 32, 64>}, {transform_indices = @transform_5, window_bounds = array<i64: 1024, 1>}, {pipeline_mode = #tpu.pipeline_mode<synchronous>, transform_indices = @transform_6, window_bounds = array<i64: 8192, 128>}, {pipeline_mode = #tpu.pipeline_mode<synchronous>, transform_indices = @transform_7, window_bounds = array<i64: 1, 1>}]} {
    %eq3A = arith.constant 0 : i32
    %eq3A_0 = arith.cmpi eq, %arg0, %eq3A : i32
    %convert_element_type3A = arith.extui %eq3A_0 : i1 to i32
    %cond3A = arith.constant 0 : i32
    %cond3A_1 = arith.cmpi ne, %convert_element_type3A, %cond3A : i32
    scf.if %cond3A_1 {
      %broadcast_in_dim3A_1454 = arith.constant 0.000000e+00 : f32
      %broadcast_in_dim3A_1455 = vector.broadcast %broadcast_in_dim3A_1454 : f32 to vector<1x1xf32>
      %swap3A_1456 = arith.constant 0 : index
      %swap3A_1457 = arith.constant 0 : index
      %swap3A_1458 = vector.load %arg8[%swap3A_1456, %swap3A_1457] : memref<1x1xf32, #tpu.memory_space<vmem>>, vector<1x1xf32>
      tpu.vector_store %arg8[%swap3A_1456, %swap3A_1457], %broadcast_in_dim3A_1455 {strides = array<i32>} : memref<1x1xf32, #tpu.memory_space<vmem>>, vector<1x1xf32>,
      %scan3A_1459 = arith.constant 0 : i32
      %scan3A_1460 = arith.constant 16 : i32
      %scan3A_1461 = arith.addi %scan3A_1459, %scan3A_1460 : i32
      %scan3A_1462 = arith.constant 1 : i32
      scf.for %scan3A_1480 = %scan3A_1459 to %scan3A_1461 step %scan3A_1462  : i32 {
        %mul3A_1481 = arith.constant 512 : i32
        %mul3A_1482 = arith.muli %scan3A_1480, %mul3A_1481 : i32
        %get3A_1483 = arith.index_cast %mul3A_1482 : i32 to index
        %get3A_1484 = arith.constant 0 : index
        %get3A_1485 = vector.load %arg4[%get3A_1483, %get3A_1484] : memref<8192x32xf32, #tpu.memory_space<vmem>>, vector<512x32xf32>
        %get3A_1486 = arith.constant 0 : index
        %get3A_1487 = arith.constant 0 : index
        %get3A_1488 = vector.load %arg5[%get3A_1486, %get3A_1487] : memref<32x64xf32, #tpu.memory_space<vmem>>, vector<32x64xf32>
        %dot_general3A_1489 = arith.constant dense<0.000000e+00> : vector<512x64xf32>
        %dot_general3A_1490 = tpu.matmul %get3A_1485, %get3A_1488, %dot_general3A_1489 {dimension_numbers = #tpu.dot_dimension_numbers<[1], [0], [0], [1], [0, 0, 1, 1], [], []>, transpose_lhs_hint = false} : vector<512x32xf32>, vector<32x64xf32>, vector<512x64xf32> -> vector<512x64xf32>
        %broadcast_in_dim3A_1491 = arith.constant 0.000000e+00 : f32
        %broadcast_in_dim3A_1492 = vector.broadcast %broadcast_in_dim3A_1491 : f32 to vector<512x64xf32>
        %concatenate3A = tpu.concatenate %dot_general3A_1490, %broadcast_in_dim3A_1492 in 1 : vector<512x64xf32>, vector<512x64xf32> -> vector<512x128xf32>
        %mul3A_1493 = arith.constant 512 : i32
        %mul3A_1494 = arith.muli %scan3A_1480, %mul3A_1493 : i32
        %swap3A_1495 = arith.index_cast %mul3A_1494 : i32 to index
        %swap3A_1496 = arith.constant 0 : index
        %swap3A_1497 = vector.load %arg7[%swap3A_1495, %swap3A_1496] : memref<8192x128xf32, #tpu.memory_space<vmem>>, vector<512x128xf32>
        tpu.vector_store %arg7[%swap3A_1495, %swap3A_1496], %concatenate3A {strides = array<i32>} : memref<8192x128xf32, #tpu.memory_space<vmem>>, vector<512x128xf32>,
      }
      %scan3A_1463 = arith.constant 16 : i32
      %get3A_1464 = arith.constant 0 : index
      %get3A_1465 = arith.constant 0 : index
      %get3A_1466 = vector.load %arg3[%get3A_1464, %get3A_1465] : memref<32x8192xf32, #tpu.memory_space<vmem>>, vector<32x8192xf32>
      %add3A_1467 = arith.addf %get3A_1466, %get3A_1466 : vector<32x8192xf32>
      %swap3A_1468 = arith.constant 0 : index
      %swap3A_1469 = arith.constant 0 : index
      %swap3A_1470 = vector.load %arg9[%swap3A_1468, %swap3A_1469] : memref<32x8192xf32, #tpu.memory_space<vmem>>, vector<32x8192xf32>
      tpu.vector_store %arg9[%swap3A_1468, %swap3A_1469], %add3A_1467 {strides = array<i32>} : memref<32x8192xf32, #tpu.memory_space<vmem>>, vector<32x8192xf32>,
      %mul3A_1471 = arith.mulf %get3A_1466, %get3A_1466 : vector<32x8192xf32>
      %reduce_sum3A_1472 = arith.constant dense<0.000000e+00> : vector<8192xf32>
      %reduce_sum3A_1473 = vector.multi_reduction <add>, %mul3A_1471, %reduce_sum3A_1472 [0] : vector<32x8192xf32> to vector<8192xf32>
      %broadcast_in_dim3A_1474 = vector.shape_cast %reduce_sum3A_1473 : vector<8192xf32> to vector<1x8192xf32>
      %broadcast_in_dim3A_1475 = vector.shape_cast %broadcast_in_dim3A_1474 : vector<1x8192xf32> to vector<1x8192xf32>
      %broadcast_in_dim3A_1476 = vector.broadcast %broadcast_in_dim3A_1475 : vector<1x8192xf32> to vector<8x8192xf32>
      %swap3A_1477 = arith.constant 0 : index
      %swap3A_1478 = arith.constant 0 : index
      %swap3A_1479 = vector.load %arg10[%swap3A_1477, %swap3A_1478] : memref<8x8192xf32, #tpu.memory_space<vmem>>, vector<8x8192xf32>
      tpu.vector_store %arg10[%swap3A_1477, %swap3A_1478], %broadcast_in_dim3A_1476 {strides = array<i32>} : memref<8x8192xf32, #tpu.memory_space<vmem>>, vector<8x8192xf32>,
    } else {
    }
    %get3A = arith.constant 0 : index
    %get3A_2 = arith.constant 0 : index
    %get3A_3 = vector.load %arg1[%get3A, %get3A_2] : memref<1024x64xf32, #tpu.memory_space<vmem>>, vector<1024x64xf32>
    %get3A_4 = arith.constant 0 : index
    %get3A_5 = arith.constant 0 : index
    %get3A_6 = vector.load %arg2[%get3A_4, %get3A_5] : memref<64x32xf32, #tpu.memory_space<vmem>>, vector<64x32xf32>
    %dot_general3A = arith.constant dense<0.000000e+00> : vector<1024x32xf32>
    %dot_general3A_7 = tpu.matmul %get3A_3, %get3A_6, %dot_general3A {dimension_numbers = #tpu.dot_dimension_numbers<[1], [0], [0], [1], [0, 0, 1, 1], [], []>, transpose_lhs_hint = false} : vector<1024x64xf32>, vector<64x32xf32>, vector<1024x32xf32> -> vector<1024x32xf32>
    %mul3A = arith.mulf %dot_general3A_7, %dot_general3A_7 : vector<1024x32xf32>
    %reduce_sum3A = arith.constant dense<0.000000e+00> : vector<1024xf32>
    %reduce_sum3A_8 = vector.multi_reduction <add>, %mul3A, %reduce_sum3A [1] : vector<1024x32xf32> to vector<1024xf32>
    %broadcast_in_dim3A = vector.shape_cast %reduce_sum3A_8 : vector<1024xf32> to vector<1024x1xf32>
    %broadcast_in_dim3A_9 = vector.shape_cast %broadcast_in_dim3A : vector<1024x1xf32> to vector<1024x1xf32>
    %broadcast_in_dim3A_10 = vector.broadcast %broadcast_in_dim3A_9 : vector<1024x1xf32> to vector<1024x128xf32>
    %reshape3A = vector.shape_cast %broadcast_in_dim3A_10 : vector<1024x128xf32> to vector<128x8x128xf32>
    %broadcast_in_dim3A_11 = arith.constant 0x7F800000 : f32
    %broadcast_in_dim3A_12 = vector.broadcast %broadcast_in_dim3A_11 : f32 to vector<128x8x128xf32>
    %broadcast_in_dim3A_13 = arith.constant 0 : i32
    %broadcast_in_dim3A_14 = vector.broadcast %broadcast_in_dim3A_13 : i32 to vector<128x8x128xi32>
    %scan3A = arith.constant 0 : i32
    %mul3A_15 = arith.constant 128 : i32
    %mul3A_16 = arith.muli %scan3A, %mul3A_15 : i32
    %get3A_17 = arith.constant 0 : index
    %get3A_18 = arith.index_cast %mul3A_16 : i32 to index
    %get3A_19 = vector.load %arg9[%get3A_17, %get3A_18] : memref<32x8192xf32, #tpu.memory_space<vmem>>, vector<32x128xf32>
    %mul3A_20 = arith.constant 128 : i32
    %mul3A_21 = arith.muli %scan3A, %mul3A_20 : i32
    %get3A_22 = arith.constant 0 : index
    %get3A_23 = arith.index_cast %mul3A_21 : i32 to index
    %get3A_24 = vector.load %arg10[%get3A_22, %get3A_23] : memref<8x8192xf32, #tpu.memory_space<vmem>>, vector<8x128xf32>
    %reshape3A_25 = vector.shape_cast %get3A_24 : vector<8x128xf32> to vector<1x8x128xf32>
    %dot_general3A_26 = arith.constant dense<0.000000e+00> : vector<1024x128xf32>
    %dot_general3A_27 = tpu.matmul %dot_general3A_7, %get3A_19, %dot_general3A_26 {dimension_numbers = #tpu.dot_dimension_numbers<[1], [0], [0], [1], [0, 0, 1, 1], [], []>, transpose_lhs_hint = false} : vector<1024x32xf32>, vector<32x128xf32>, vector<1024x128xf32> -> vector<1024x128xf32>
    %reshape3A_28 = vector.shape_cast %dot_general3A_27 : vector<1024x128xf32> to vector<128x8x128xf32>
    %add3A = vector.broadcast %reshape3A_25 : vector<1x8x128xf32> to vector<128x8x128xf32>
    %add3A_29 = arith.addf %reshape3A, %add3A : vector<128x8x128xf32>
    %sub3A = arith.subf %add3A_29, %reshape3A_28 : vector<128x8x128xf32>
    %lt3A = arith.cmpf olt, %sub3A, %broadcast_in_dim3A_12 : vector<128x8x128xf32>
    %select_n3A = arith.select %lt3A, %sub3A, %broadcast_in_dim3A_12 : vector<128x8x128xi1>, vector<128x8x128xf32>
    %broadcast_in_dim3A_30 = vector.broadcast %scan3A : i32 to vector<128x8x128xi32>
    %select_n3A_31 = arith.select %lt3A, %broadcast_in_dim3A_30, %broadcast_in_dim3A_14 : vector<128x8x128xi1>, vector<128x8x128xi32>
    %scan3A_32 = arith.constant 1 : i32
    %mul3A_33 = arith.constant 128 : i32
    %mul3A_34 = arith.muli %scan3A_32, %mul3A_33 : i32
    %get3A_35 = arith.constant 0 : index
    %get3A_36 = arith.index_cast %mul3A_34 : i32 to index
    %get3A_37 = vector.load %arg9[%get3A_35, %get3A_36] : memref<32x8192xf32, #tpu.memory_space<vmem>>, vector<32x128xf32>
    %mul3A_38 = arith.constant 128 : i32
    %mul3A_39 = arith.muli %scan3A_32, %mul3A_38 : i32
    %get3A_40 = arith.constant 0 : index
    %get3A_41 = arith.index_cast %mul3A_39 : i32 to index
    %get3A_42 = vector.load %arg10[%get3A_40, %get3A_41] : memref<8x8192xf32, #tpu.memory_space<vmem>>, vector<8x128xf32>
    %reshape3A_43 = vector.shape_cast %get3A_42 : vector<8x128xf32> to vector<1x8x128xf32>
    %dot_general3A_44 = arith.constant dense<0.000000e+00> : vector<1024x128xf32>
    %dot_general3A_45 = tpu.matmul %dot_general3A_7, %get3A_37, %dot_general3A_44 {dimension_numbers = #tpu.dot_dimension_numbers<[1], [0], [0], [1], [0, 0, 1, 1], [], []>, transpose_lhs_hint = false} : vector<1024x32xf32>, vector<32x128xf32>, vector<1024x128xf32> -> vector<1024x128xf32>
    %reshape3A_46 = vector.shape_cast %dot_general3A_45 : vector<1024x128xf32> to vector<128x8x128xf32>
    %add3A_47 = vector.broadcast %reshape3A_43 : vector<1x8x128xf32> to vector<128x8x128xf32>
    %add3A_48 = arith.addf %reshape3A, %add3A_47 : vector<128x8x128xf32>
    %sub3A_49 = arith.subf %add3A_48, %reshape3A_46 : vector<128x8x128xf32>
    %lt3A_50 = arith.cmpf olt, %sub3A_49, %select_n3A : vector<128x8x128xf32>
    %select_n3A_51 = arith.select %lt3A_50, %sub3A_49, %select_n3A : vector<128x8x128xi1>, vector<128x8x128xf32>
    %broadcast_in_dim3A_52 = vector.broadcast %scan3A_32 : i32 to vector<128x8x128xi32>
    %select_n3A_53 = arith.select %lt3A_50, %broadcast_in_dim3A_52, %select_n3A_31 : vector<128x8x128xi1>, vector<128x8x128xi32>
    %scan3A_54 = arith.constant 2 : i32
    %mul3A_55 = arith.constant 128 : i32
    %mul3A_56 = arith.muli %scan3A_54, %mul3A_55 : i32
    %get3A_57 = arith.constant 0 : index
    %get3A_58 = arith.index_cast %mul3A_56 : i32 to index
    %get3A_59 = vector.load %arg9[%get3A_57, %get3A_58] : memref<32x8192xf32, #tpu.memory_space<vmem>>, vector<32x128xf32>
    %mul3A_60 = arith.constant 128 : i32
    %mul3A_61 = arith.muli %scan3A_54, %mul3A_60 : i32
    %get3A_62 = arith.constant 0 : index
    %get3A_63 = arith.index_cast %mul3A_61 : i32 to index
    %get3A_64 = vector.load %arg10[%get3A_62, %get3A_63] : memref<8x8192xf32, #tpu.memory_space<vmem>>, vector<8x128xf32>
    %reshape3A_65 = vector.shape_cast %get3A_64 : vector<8x128xf32> to vector<1x8x128xf32>
    %dot_general3A_66 = arith.constant dense<0.000000e+00> : vector<1024x128xf32>
    %dot_general3A_67 = tpu.matmul %dot_general3A_7, %get3A_59, %dot_general3A_66 {dimension_numbers = #tpu.dot_dimension_numbers<[1], [0], [0], [1], [0, 0, 1, 1], [], []>, transpose_lhs_hint = false} : vector<1024x32xf32>, vector<32x128xf32>, vector<1024x128xf32> -> vector<1024x128xf32>
    %reshape3A_68 = vector.shape_cast %dot_general3A_67 : vector<1024x128xf32> to vector<128x8x128xf32>
    %add3A_69 = vector.broadcast %reshape3A_65 : vector<1x8x128xf32> to vector<128x8x128xf32>
    %add3A_70 = arith.addf %reshape3A, %add3A_69 : vector<128x8x128xf32>
    %sub3A_71 = arith.subf %add3A_70, %reshape3A_68 : vector<128x8x128xf32>
    %lt3A_72 = arith.cmpf olt, %sub3A_71, %select_n3A_51 : vector<128x8x128xf32>
    %select_n3A_73 = arith.select %lt3A_72, %sub3A_71, %select_n3A_51 : vector<128x8x128xi1>, vector<128x8x128xf32>
    %broadcast_in_dim3A_74 = vector.broadcast %scan3A_54 : i32 to vector<128x8x128xi32>
    %select_n3A_75 = arith.select %lt3A_72, %broadcast_in_dim3A_74, %select_n3A_53 : vector<128x8x128xi1>, vector<128x8x128xi32>
    %scan3A_76 = arith.constant 3 : i32
    %mul3A_77 = arith.constant 128 : i32
    %mul3A_78 = arith.muli %scan3A_76, %mul3A_77 : i32
    %get3A_79 = arith.constant 0 : index
    %get3A_80 = arith.index_cast %mul3A_78 : i32 to index
    %get3A_81 = vector.load %arg9[%get3A_79, %get3A_80] : memref<32x8192xf32, #tpu.memory_space<vmem>>, vector<32x128xf32>
    %mul3A_82 = arith.constant 128 : i32
    %mul3A_83 = arith.muli %scan3A_76, %mul3A_82 : i32
    %get3A_84 = arith.constant 0 : index
    %get3A_85 = arith.index_cast %mul3A_83 : i32 to index
    %get3A_86 = vector.load %arg10[%get3A_84, %get3A_85] : memref<8x8192xf32, #tpu.memory_space<vmem>>, vector<8x128xf32>
    %reshape3A_87 = vector.shape_cast %get3A_86 : vector<8x128xf32> to vector<1x8x128xf32>
    %dot_general3A_88 = arith.constant dense<0.000000e+00> : vector<1024x128xf32>
    %dot_general3A_89 = tpu.matmul %dot_general3A_7, %get3A_81, %dot_general3A_88 {dimension_numbers = #tpu.dot_dimension_numbers<[1], [0], [0], [1], [0, 0, 1, 1], [], []>, transpose_lhs_hint = false} : vector<1024x32xf32>, vector<32x128xf32>, vector<1024x128xf32> -> vector<1024x128xf32>
    %reshape3A_90 = vector.shape_cast %dot_general3A_89 : vector<1024x128xf32> to vector<128x8x128xf32>
    %add3A_91 = vector.broadcast %reshape3A_87 : vector<1x8x128xf32> to vector<128x8x128xf32>
    %add3A_92 = arith.addf %reshape3A, %add3A_91 : vector<128x8x128xf32>
    %sub3A_93 = arith.subf %add3A_92, %reshape3A_90 : vector<128x8x128xf32>
    %lt3A_94 = arith.cmpf olt, %sub3A_93, %select_n3A_73 : vector<128x8x128xf32>
    %select_n3A_95 = arith.select %lt3A_94, %sub3A_93, %select_n3A_73 : vector<128x8x128xi1>, vector<128x8x128xf32>
    %broadcast_in_dim3A_96 = vector.broadcast %scan3A_76 : i32 to vector<128x8x128xi32>
    %select_n3A_97 = arith.select %lt3A_94, %broadcast_in_dim3A_96, %select_n3A_75 : vector<128x8x128xi1>, vector<128x8x128xi32>
    %scan3A_98 = arith.constant 4 : i32
    %mul3A_99 = arith.constant 128 : i32
    %mul3A_100 = arith.muli %scan3A_98, %mul3A_99 : i32
    %get3A_101 = arith.constant 0 : index
    %get3A_102 = arith.index_cast %mul3A_100 : i32 to index
    %get3A_103 = vector.load %arg9[%get3A_101, %get3A_102] : memref<32x8192xf32, #tpu.memory_space<vmem>>, vector<32x128xf32>
    %mul3A_104 = arith.constant 128 : i32
    %mul3A_105 = arith.muli %scan3A_98, %mul3A_104 : i32
    %get3A_106 = arith.constant 0 : index
    %get3A_107 = arith.index_cast %mul3A_105 : i32 to index
    %get3A_108 = vector.load %arg10[%get3A_106, %get3A_107] : memref<8x8192xf32, #tpu.memory_space<vmem>>, vector<8x128xf32>
    %reshape3A_109 = vector.shape_cast %get3A_108 : vector<8x128xf32> to vector<1x8x128xf32>
    %dot_general3A_110 = arith.constant dense<0.000000e+00> : vector<1024x128xf32>
    %dot_general3A_111 = tpu.matmul %dot_general3A_7, %get3A_103, %dot_general3A_110 {dimension_numbers = #tpu.dot_dimension_numbers<[1], [0], [0], [1], [0, 0, 1, 1], [], []>, transpose_lhs_hint = false} : vector<1024x32xf32>, vector<32x128xf32>, vector<1024x128xf32> -> vector<1024x128xf32>
    %reshape3A_112 = vector.shape_cast %dot_general3A_111 : vector<1024x128xf32> to vector<128x8x128xf32>
    %add3A_113 = vector.broadcast %reshape3A_109 : vector<1x8x128xf32> to vector<128x8x128xf32>
    %add3A_114 = arith.addf %reshape3A, %add3A_113 : vector<128x8x128xf32>
    %sub3A_115 = arith.subf %add3A_114, %reshape3A_112 : vector<128x8x128xf32>
    %lt3A_116 = arith.cmpf olt, %sub3A_115, %select_n3A_95 : vector<128x8x128xf32>
    %select_n3A_117 = arith.select %lt3A_116, %sub3A_115, %select_n3A_95 : vector<128x8x128xi1>, vector<128x8x128xf32>
    %broadcast_in_dim3A_118 = vector.broadcast %scan3A_98 : i32 to vector<128x8x128xi32>
    %select_n3A_119 = arith.select %lt3A_116, %broadcast_in_dim3A_118, %select_n3A_97 : vector<128x8x128xi1>, vector<128x8x128xi32>
    %scan3A_120 = arith.constant 5 : i32
    %mul3A_121 = arith.constant 128 : i32
    %mul3A_122 = arith.muli %scan3A_120, %mul3A_121 : i32
    %get3A_123 = arith.constant 0 : index
    %get3A_124 = arith.index_cast %mul3A_122 : i32 to index
    %get3A_125 = vector.load %arg9[%get3A_123, %get3A_124] : memref<32x8192xf32, #tpu.memory_space<vmem>>, vector<32x128xf32>
    %mul3A_126 = arith.constant 128 : i32
    %mul3A_127 = arith.muli %scan3A_120, %mul3A_126 : i32
    %get3A_128 = arith.constant 0 : index
    %get3A_129 = arith.index_cast %mul3A_127 : i32 to index
    %get3A_130 = vector.load %arg10[%get3A_128, %get3A_129] : memref<8x8192xf32, #tpu.memory_space<vmem>>, vector<8x128xf32>
    %reshape3A_131 = vector.shape_cast %get3A_130 : vector<8x128xf32> to vector<1x8x128xf32>
    %dot_general3A_132 = arith.constant dense<0.000000e+00> : vector<1024x128xf32>
    %dot_general3A_133 = tpu.matmul %dot_general3A_7, %get3A_125, %dot_general3A_132 {dimension_numbers = #tpu.dot_dimension_numbers<[1], [0], [0], [1], [0, 0, 1, 1], [], []>, transpose_lhs_hint = false} : vector<1024x32xf32>, vector<32x128xf32>, vector<1024x128xf32> -> vector<1024x128xf32>
    %reshape3A_134 = vector.shape_cast %dot_general3A_133 : vector<1024x128xf32> to vector<128x8x128xf32>
    %add3A_135 = vector.broadcast %reshape3A_131 : vector<1x8x128xf32> to vector<128x8x128xf32>
    %add3A_136 = arith.addf %reshape3A, %add3A_135 : vector<128x8x128xf32>
    %sub3A_137 = arith.subf %add3A_136, %reshape3A_134 : vector<128x8x128xf32>
    %lt3A_138 = arith.cmpf olt, %sub3A_137, %select_n3A_117 : vector<128x8x128xf32>
    %select_n3A_139 = arith.select %lt3A_138, %sub3A_137, %select_n3A_117 : vector<128x8x128xi1>, vector<128x8x128xf32>
    %broadcast_in_dim3A_140 = vector.broadcast %scan3A_120 : i32 to vector<128x8x128xi32>
    %select_n3A_141 = arith.select %lt3A_138, %broadcast_in_dim3A_140, %select_n3A_119 : vector<128x8x128xi1>, vector<128x8x128xi32>
    %scan3A_142 = arith.constant 6 : i32
    %mul3A_143 = arith.constant 128 : i32
    %mul3A_144 = arith.muli %scan3A_142, %mul3A_143 : i32
    %get3A_145 = arith.constant 0 : index
    %get3A_146 = arith.index_cast %mul3A_144 : i32 to index
    %get3A_147 = vector.load %arg9[%get3A_145, %get3A_146] : memref<32x8192xf32, #tpu.memory_space<vmem>>, vector<32x128xf32>
    %mul3A_148 = arith.constant 128 : i32
    %mul3A_149 = arith.muli %scan3A_142, %mul3A_148 : i32
    %get3A_150 = arith.constant 0 : index
    %get3A_151 = arith.index_cast %mul3A_149 : i32 to index
    %get3A_152 = vector.load %arg10[%get3A_150, %get3A_151] : memref<8x8192xf32, #tpu.memory_space<vmem>>, vector<8x128xf32>
    %reshape3A_153 = vector.shape_cast %get3A_152 : vector<8x128xf32> to vector<1x8x128xf32>
    %dot_general3A_154 = arith.constant dense<0.000000e+00> : vector<1024x128xf32>
    %dot_general3A_155 = tpu.matmul %dot_general3A_7, %get3A_147, %dot_general3A_154 {dimension_numbers = #tpu.dot_dimension_numbers<[1], [0], [0], [1], [0, 0, 1, 1], [], []>, transpose_lhs_hint = false} : vector<1024x32xf32>, vector<32x128xf32>, vector<1024x128xf32> -> vector<1024x128xf32>
    %reshape3A_156 = vector.shape_cast %dot_general3A_155 : vector<1024x128xf32> to vector<128x8x128xf32>
    %add3A_157 = vector.broadcast %reshape3A_153 : vector<1x8x128xf32> to vector<128x8x128xf32>
    %add3A_158 = arith.addf %reshape3A, %add3A_157 : vector<128x8x128xf32>
    %sub3A_159 = arith.subf %add3A_158, %reshape3A_156 : vector<128x8x128xf32>
    %lt3A_160 = arith.cmpf olt, %sub3A_159, %select_n3A_139 : vector<128x8x128xf32>
    %select_n3A_161 = arith.select %lt3A_160, %sub3A_159, %select_n3A_139 : vector<128x8x128xi1>, vector<128x8x128xf32>
    %broadcast_in_dim3A_162 = vector.broadcast %scan3A_142 : i32 to vector<128x8x128xi32>
    %select_n3A_163 = arith.select %lt3A_160, %broadcast_in_dim3A_162, %select_n3A_141 : vector<128x8x128xi1>, vector<128x8x128xi32>
    %scan3A_164 = arith.constant 7 : i32
    %mul3A_165 = arith.constant 128 : i32
    %mul3A_166 = arith.muli %scan3A_164, %mul3A_165 : i32
    %get3A_167 = arith.constant 0 : index
    %get3A_168 = arith.index_cast %mul3A_166 : i32 to index
    %get3A_169 = vector.load %arg9[%get3A_167, %get3A_168] : memref<32x8192xf32, #tpu.memory_space<vmem>>, vector<32x128xf32>
    %mul3A_170 = arith.constant 128 : i32
    %mul3A_171 = arith.muli %scan3A_164, %mul3A_170 : i32
    %get3A_172 = arith.constant 0 : index
    %get3A_173 = arith.index_cast %mul3A_171 : i32 to index
    %get3A_174 = vector.load %arg10[%get3A_172, %get3A_173] : memref<8x8192xf32, #tpu.memory_space<vmem>>, vector<8x128xf32>
    %reshape3A_175 = vector.shape_cast %get3A_174 : vector<8x128xf32> to vector<1x8x128xf32>
    %dot_general3A_176 = arith.constant dense<0.000000e+00> : vector<1024x128xf32>
    %dot_general3A_177 = tpu.matmul %dot_general3A_7, %get3A_169, %dot_general3A_176 {dimension_numbers = #tpu.dot_dimension_numbers<[1], [0], [0], [1], [0, 0, 1, 1], [], []>, transpose_lhs_hint = false} : vector<1024x32xf32>, vector<32x128xf32>, vector<1024x128xf32> -> vector<1024x128xf32>
    %reshape3A_178 = vector.shape_cast %dot_general3A_177 : vector<1024x128xf32> to vector<128x8x128xf32>
    %add3A_179 = vector.broadcast %reshape3A_175 : vector<1x8x128xf32> to vector<128x8x128xf32>
    %add3A_180 = arith.addf %reshape3A, %add3A_179 : vector<128x8x128xf32>
    %sub3A_181 = arith.subf %add3A_180, %reshape3A_178 : vector<128x8x128xf32>
    %lt3A_182 = arith.cmpf olt, %sub3A_181, %select_n3A_161 : vector<128x8x128xf32>
    %select_n3A_183 = arith.select %lt3A_182, %sub3A_181, %select_n3A_161 : vector<128x8x128xi1>, vector<128x8x128xf32>
    %broadcast_in_dim3A_184 = vector.broadcast %scan3A_164 : i32 to vector<128x8x128xi32>
    %select_n3A_185 = arith.select %lt3A_182, %broadcast_in_dim3A_184, %select_n3A_163 : vector<128x8x128xi1>, vector<128x8x128xi32>
    %scan3A_186 = arith.constant 8 : i32
    %mul3A_187 = arith.constant 128 : i32
    %mul3A_188 = arith.muli %scan3A_186, %mul3A_187 : i32
    %get3A_189 = arith.constant 0 : index
    %get3A_190 = arith.index_cast %mul3A_188 : i32 to index
    %get3A_191 = vector.load %arg9[%get3A_189, %get3A_190] : memref<32x8192xf32, #tpu.memory_space<vmem>>, vector<32x128xf32>
    %mul3A_192 = arith.constant 128 : i32
    %mul3A_193 = arith.muli %scan3A_186, %mul3A_192 : i32
    %get3A_194 = arith.constant 0 : index
    %get3A_195 = arith.index_cast %mul3A_193 : i32 to index
    %get3A_196 = vector.load %arg10[%get3A_194, %get3A_195] : memref<8x8192xf32, #tpu.memory_space<vmem>>, vector<8x128xf32>
    %reshape3A_197 = vector.shape_cast %get3A_196 : vector<8x128xf32> to vector<1x8x128xf32>
    %dot_general3A_198 = arith.constant dense<0.000000e+00> : vector<1024x128xf32>
    %dot_general3A_199 = tpu.matmul %dot_general3A_7, %get3A_191, %dot_general3A_198 {dimension_numbers = #tpu.dot_dimension_numbers<[1], [0], [0], [1], [0, 0, 1, 1], [], []>, transpose_lhs_hint = false} : vector<1024x32xf32>, vector<32x128xf32>, vector<1024x128xf32> -> vector<1024x128xf32>
    %reshape3A_200 = vector.shape_cast %dot_general3A_199 : vector<1024x128xf32> to vector<128x8x128xf32>
    %add3A_201 = vector.broadcast %reshape3A_197 : vector<1x8x128xf32> to vector<128x8x128xf32>
    %add3A_202 = arith.addf %reshape3A, %add3A_201 : vector<128x8x128xf32>
    %sub3A_203 = arith.subf %add3A_202, %reshape3A_200 : vector<128x8x128xf32>
    %lt3A_204 = arith.cmpf olt, %sub3A_203, %select_n3A_183 : vector<128x8x128xf32>
    %select_n3A_205 = arith.select %lt3A_204, %sub3A_203, %select_n3A_183 : vector<128x8x128xi1>, vector<128x8x128xf32>
    %broadcast_in_dim3A_206 = vector.broadcast %scan3A_186 : i32 to vector<128x8x128xi32>
    %select_n3A_207 = arith.select %lt3A_204, %broadcast_in_dim3A_206, %select_n3A_185 : vector<128x8x128xi1>, vector<128x8x128xi32>
    %scan3A_208 = arith.constant 9 : i32
    %mul3A_209 = arith.constant 128 : i32
    %mul3A_210 = arith.muli %scan3A_208, %mul3A_209 : i32
    %get3A_211 = arith.constant 0 : index
    %get3A_212 = arith.index_cast %mul3A_210 : i32 to index
    %get3A_213 = vector.load %arg9[%get3A_211, %get3A_212] : memref<32x8192xf32, #tpu.memory_space<vmem>>, vector<32x128xf32>
    %mul3A_214 = arith.constant 128 : i32
    %mul3A_215 = arith.muli %scan3A_208, %mul3A_214 : i32
    %get3A_216 = arith.constant 0 : index
    %get3A_217 = arith.index_cast %mul3A_215 : i32 to index
    %get3A_218 = vector.load %arg10[%get3A_216, %get3A_217] : memref<8x8192xf32, #tpu.memory_space<vmem>>, vector<8x128xf32>
    %reshape3A_219 = vector.shape_cast %get3A_218 : vector<8x128xf32> to vector<1x8x128xf32>
    %dot_general3A_220 = arith.constant dense<0.000000e+00> : vector<1024x128xf32>
    %dot_general3A_221 = tpu.matmul %dot_general3A_7, %get3A_213, %dot_general3A_220 {dimension_numbers = #tpu.dot_dimension_numbers<[1], [0], [0], [1], [0, 0, 1, 1], [], []>, transpose_lhs_hint = false} : vector<1024x32xf32>, vector<32x128xf32>, vector<1024x128xf32> -> vector<1024x128xf32>
    %reshape3A_222 = vector.shape_cast %dot_general3A_221 : vector<1024x128xf32> to vector<128x8x128xf32>
    %add3A_223 = vector.broadcast %reshape3A_219 : vector<1x8x128xf32> to vector<128x8x128xf32>
    %add3A_224 = arith.addf %reshape3A, %add3A_223 : vector<128x8x128xf32>
    %sub3A_225 = arith.subf %add3A_224, %reshape3A_222 : vector<128x8x128xf32>
    %lt3A_226 = arith.cmpf olt, %sub3A_225, %select_n3A_205 : vector<128x8x128xf32>
    %select_n3A_227 = arith.select %lt3A_226, %sub3A_225, %select_n3A_205 : vector<128x8x128xi1>, vector<128x8x128xf32>
    %broadcast_in_dim3A_228 = vector.broadcast %scan3A_208 : i32 to vector<128x8x128xi32>
    %select_n3A_229 = arith.select %lt3A_226, %broadcast_in_dim3A_228, %select_n3A_207 : vector<128x8x128xi1>, vector<128x8x128xi32>
    %scan3A_230 = arith.constant 10 : i32
    %mul3A_231 = arith.constant 128 : i32
    %mul3A_232 = arith.muli %scan3A_230, %mul3A_231 : i32
    %get3A_233 = arith.constant 0 : index
    %get3A_234 = arith.index_cast %mul3A_232 : i32 to index
    %get3A_235 = vector.load %arg9[%get3A_233, %get3A_234] : memref<32x8192xf32, #tpu.memory_space<vmem>>, vector<32x128xf32>
    %mul3A_236 = arith.constant 128 : i32
    %mul3A_237 = arith.muli %scan3A_230, %mul3A_236 : i32
    %get3A_238 = arith.constant 0 : index
    %get3A_239 = arith.index_cast %mul3A_237 : i32 to index
    %get3A_240 = vector.load %arg10[%get3A_238, %get3A_239] : memref<8x8192xf32, #tpu.memory_space<vmem>>, vector<8x128xf32>
    %reshape3A_241 = vector.shape_cast %get3A_240 : vector<8x128xf32> to vector<1x8x128xf32>
    %dot_general3A_242 = arith.constant dense<0.000000e+00> : vector<1024x128xf32>
    %dot_general3A_243 = tpu.matmul %dot_general3A_7, %get3A_235, %dot_general3A_242 {dimension_numbers = #tpu.dot_dimension_numbers<[1], [0], [0], [1], [0, 0, 1, 1], [], []>, transpose_lhs_hint = false} : vector<1024x32xf32>, vector<32x128xf32>, vector<1024x128xf32> -> vector<1024x128xf32>
    %reshape3A_244 = vector.shape_cast %dot_general3A_243 : vector<1024x128xf32> to vector<128x8x128xf32>
    %add3A_245 = vector.broadcast %reshape3A_241 : vector<1x8x128xf32> to vector<128x8x128xf32>
    %add3A_246 = arith.addf %reshape3A, %add3A_245 : vector<128x8x128xf32>
    %sub3A_247 = arith.subf %add3A_246, %reshape3A_244 : vector<128x8x128xf32>
    %lt3A_248 = arith.cmpf olt, %sub3A_247, %select_n3A_227 : vector<128x8x128xf32>
    %select_n3A_249 = arith.select %lt3A_248, %sub3A_247, %select_n3A_227 : vector<128x8x128xi1>, vector<128x8x128xf32>
    %broadcast_in_dim3A_250 = vector.broadcast %scan3A_230 : i32 to vector<128x8x128xi32>
    %select_n3A_251 = arith.select %lt3A_248, %broadcast_in_dim3A_250, %select_n3A_229 : vector<128x8x128xi1>, vector<128x8x128xi32>
    %scan3A_252 = arith.constant 11 : i32
    %mul3A_253 = arith.constant 128 : i32
    %mul3A_254 = arith.muli %scan3A_252, %mul3A_253 : i32
    %get3A_255 = arith.constant 0 : index
    %get3A_256 = arith.index_cast %mul3A_254 : i32 to index
    %get3A_257 = vector.load %arg9[%get3A_255, %get3A_256] : memref<32x8192xf32, #tpu.memory_space<vmem>>, vector<32x128xf32>
    %mul3A_258 = arith.constant 128 : i32
    %mul3A_259 = arith.muli %scan3A_252, %mul3A_258 : i32
    %get3A_260 = arith.constant 0 : index
    %get3A_261 = arith.index_cast %mul3A_259 : i32 to index
    %get3A_262 = vector.load %arg10[%get3A_260, %get3A_261] : memref<8x8192xf32, #tpu.memory_space<vmem>>, vector<8x128xf32>
    %reshape3A_263 = vector.shape_cast %get3A_262 : vector<8x128xf32> to vector<1x8x128xf32>
    %dot_general3A_264 = arith.constant dense<0.000000e+00> : vector<1024x128xf32>
    %dot_general3A_265 = tpu.matmul %dot_general3A_7, %get3A_257, %dot_general3A_264 {dimension_numbers = #tpu.dot_dimension_numbers<[1], [0], [0], [1], [0, 0, 1, 1], [], []>, transpose_lhs_hint = false} : vector<1024x32xf32>, vector<32x128xf32>, vector<1024x128xf32> -> vector<1024x128xf32>
    %reshape3A_266 = vector.shape_cast %dot_general3A_265 : vector<1024x128xf32> to vector<128x8x128xf32>
    %add3A_267 = vector.broadcast %reshape3A_263 : vector<1x8x128xf32> to vector<128x8x128xf32>
    %add3A_268 = arith.addf %reshape3A, %add3A_267 : vector<128x8x128xf32>
    %sub3A_269 = arith.subf %add3A_268, %reshape3A_266 : vector<128x8x128xf32>
    %lt3A_270 = arith.cmpf olt, %sub3A_269, %select_n3A_249 : vector<128x8x128xf32>
    %select_n3A_271 = arith.select %lt3A_270, %sub3A_269, %select_n3A_249 : vector<128x8x128xi1>, vector<128x8x128xf32>
    %broadcast_in_dim3A_272 = vector.broadcast %scan3A_252 : i32 to vector<128x8x128xi32>
    %select_n3A_273 = arith.select %lt3A_270, %broadcast_in_dim3A_272, %select_n3A_251 : vector<128x8x128xi1>, vector<128x8x128xi32>
    %scan3A_274 = arith.constant 12 : i32
    %mul3A_275 = arith.constant 128 : i32
    %mul3A_276 = arith.muli %scan3A_274, %mul3A_275 : i32
    %get3A_277 = arith.constant 0 : index
    %get3A_278 = arith.index_cast %mul3A_276 : i32 to index
    %get3A_279 = vector.load %arg9[%get3A_277, %get3A_278] : memref<32x8192xf32, #tpu.memory_space<vmem>>, vector<32x128xf32>
    %mul3A_280 = arith.constant 128 : i32
    %mul3A_281 = arith.muli %scan3A_274, %mul3A_280 : i32
    %get3A_282 = arith.constant 0 : index
    %get3A_283 = arith.index_cast %mul3A_281 : i32 to index
    %get3A_284 = vector.load %arg10[%get3A_282, %get3A_283] : memref<8x8192xf32, #tpu.memory_space<vmem>>, vector<8x128xf32>
    %reshape3A_285 = vector.shape_cast %get3A_284 : vector<8x128xf32> to vector<1x8x128xf32>
    %dot_general3A_286 = arith.constant dense<0.000000e+00> : vector<1024x128xf32>
    %dot_general3A_287 = tpu.matmul %dot_general3A_7, %get3A_279, %dot_general3A_286 {dimension_numbers = #tpu.dot_dimension_numbers<[1], [0], [0], [1], [0, 0, 1, 1], [], []>, transpose_lhs_hint = false} : vector<1024x32xf32>, vector<32x128xf32>, vector<1024x128xf32> -> vector<1024x128xf32>
    %reshape3A_288 = vector.shape_cast %dot_general3A_287 : vector<1024x128xf32> to vector<128x8x128xf32>
    %add3A_289 = vector.broadcast %reshape3A_285 : vector<1x8x128xf32> to vector<128x8x128xf32>
    %add3A_290 = arith.addf %reshape3A, %add3A_289 : vector<128x8x128xf32>
    %sub3A_291 = arith.subf %add3A_290, %reshape3A_288 : vector<128x8x128xf32>
    %lt3A_292 = arith.cmpf olt, %sub3A_291, %select_n3A_271 : vector<128x8x128xf32>
    %select_n3A_293 = arith.select %lt3A_292, %sub3A_291, %select_n3A_271 : vector<128x8x128xi1>, vector<128x8x128xf32>
    %broadcast_in_dim3A_294 = vector.broadcast %scan3A_274 : i32 to vector<128x8x128xi32>
    %select_n3A_295 = arith.select %lt3A_292, %broadcast_in_dim3A_294, %select_n3A_273 : vector<128x8x128xi1>, vector<128x8x128xi32>
    %scan3A_296 = arith.constant 13 : i32
    %mul3A_297 = arith.constant 128 : i32
    %mul3A_298 = arith.muli %scan3A_296, %mul3A_297 : i32
    %get3A_299 = arith.constant 0 : index
    %get3A_300 = arith.index_cast %mul3A_298 : i32 to index
    %get3A_301 = vector.load %arg9[%get3A_299, %get3A_300] : memref<32x8192xf32, #tpu.memory_space<vmem>>, vector<32x128xf32>
    %mul3A_302 = arith.constant 128 : i32
    %mul3A_303 = arith.muli %scan3A_296, %mul3A_302 : i32
    %get3A_304 = arith.constant 0 : index
    %get3A_305 = arith.index_cast %mul3A_303 : i32 to index
    %get3A_306 = vector.load %arg10[%get3A_304, %get3A_305] : memref<8x8192xf32, #tpu.memory_space<vmem>>, vector<8x128xf32>
    %reshape3A_307 = vector.shape_cast %get3A_306 : vector<8x128xf32> to vector<1x8x128xf32>
    %dot_general3A_308 = arith.constant dense<0.000000e+00> : vector<1024x128xf32>
    %dot_general3A_309 = tpu.matmul %dot_general3A_7, %get3A_301, %dot_general3A_308 {dimension_numbers = #tpu.dot_dimension_numbers<[1], [0], [0], [1], [0, 0, 1, 1], [], []>, transpose_lhs_hint = false} : vector<1024x32xf32>, vector<32x128xf32>, vector<1024x128xf32> -> vector<1024x128xf32>
    %reshape3A_310 = vector.shape_cast %dot_general3A_309 : vector<1024x128xf32> to vector<128x8x128xf32>
    %add3A_311 = vector.broadcast %reshape3A_307 : vector<1x8x128xf32> to vector<128x8x128xf32>
    %add3A_312 = arith.addf %reshape3A, %add3A_311 : vector<128x8x128xf32>
    %sub3A_313 = arith.subf %add3A_312, %reshape3A_310 : vector<128x8x128xf32>
    %lt3A_314 = arith.cmpf olt, %sub3A_313, %select_n3A_293 : vector<128x8x128xf32>
    %select_n3A_315 = arith.select %lt3A_314, %sub3A_313, %select_n3A_293 : vector<128x8x128xi1>, vector<128x8x128xf32>
    %broadcast_in_dim3A_316 = vector.broadcast %scan3A_296 : i32 to vector<128x8x128xi32>
    %select_n3A_317 = arith.select %lt3A_314, %broadcast_in_dim3A_316, %select_n3A_295 : vector<128x8x128xi1>, vector<128x8x128xi32>
    %scan3A_318 = arith.constant 14 : i32
    %mul3A_319 = arith.constant 128 : i32
    %mul3A_320 = arith.muli %scan3A_318, %mul3A_319 : i32
    %get3A_321 = arith.constant 0 : index
    %get3A_322 = arith.index_cast %mul3A_320 : i32 to index
    %get3A_323 = vector.load %arg9[%get3A_321, %get3A_322] : memref<32x8192xf32, #tpu.memory_space<vmem>>, vector<32x128xf32>
    %mul3A_324 = arith.constant 128 : i32
    %mul3A_325 = arith.muli %scan3A_318, %mul3A_324 : i32
    %get3A_326 = arith.constant 0 : index
    %get3A_327 = arith.index_cast %mul3A_325 : i32 to index
    %get3A_328 = vector.load %arg10[%get3A_326, %get3A_327] : memref<8x8192xf32, #tpu.memory_space<vmem>>, vector<8x128xf32>
    %reshape3A_329 = vector.shape_cast %get3A_328 : vector<8x128xf32> to vector<1x8x128xf32>
    %dot_general3A_330 = arith.constant dense<0.000000e+00> : vector<1024x128xf32>
    %dot_general3A_331 = tpu.matmul %dot_general3A_7, %get3A_323, %dot_general3A_330 {dimension_numbers = #tpu.dot_dimension_numbers<[1], [0], [0], [1], [0, 0, 1, 1], [], []>, transpose_lhs_hint = false} : vector<1024x32xf32>, vector<32x128xf32>, vector<1024x128xf32> -> vector<1024x128xf32>
    %reshape3A_332 = vector.shape_cast %dot_general3A_331 : vector<1024x128xf32> to vector<128x8x128xf32>
    %add3A_333 = vector.broadcast %reshape3A_329 : vector<1x8x128xf32> to vector<128x8x128xf32>
    %add3A_334 = arith.addf %reshape3A, %add3A_333 : vector<128x8x128xf32>
    %sub3A_335 = arith.subf %add3A_334, %reshape3A_332 : vector<128x8x128xf32>
    %lt3A_336 = arith.cmpf olt, %sub3A_335, %select_n3A_315 : vector<128x8x128xf32>
    %select_n3A_337 = arith.select %lt3A_336, %sub3A_335, %select_n3A_315 : vector<128x8x128xi1>, vector<128x8x128xf32>
    %broadcast_in_dim3A_338 = vector.broadcast %scan3A_318 : i32 to vector<128x8x128xi32>
    %select_n3A_339 = arith.select %lt3A_336, %broadcast_in_dim3A_338, %select_n3A_317 : vector<128x8x128xi1>, vector<128x8x128xi32>
    %scan3A_340 = arith.constant 15 : i32
    %mul3A_341 = arith.constant 128 : i32
    %mul3A_342 = arith.muli %scan3A_340, %mul3A_341 : i32
    %get3A_343 = arith.constant 0 : index
    %get3A_344 = arith.index_cast %mul3A_342 : i32 to index
    %get3A_345 = vector.load %arg9[%get3A_343, %get3A_344] : memref<32x8192xf32, #tpu.memory_space<vmem>>, vector<32x128xf32>
    %mul3A_346 = arith.constant 128 : i32
    %mul3A_347 = arith.muli %scan3A_340, %mul3A_346 : i32
    %get3A_348 = arith.constant 0 : index
    %get3A_349 = arith.index_cast %mul3A_347 : i32 to index
    %get3A_350 = vector.load %arg10[%get3A_348, %get3A_349] : memref<8x8192xf32, #tpu.memory_space<vmem>>, vector<8x128xf32>
    %reshape3A_351 = vector.shape_cast %get3A_350 : vector<8x128xf32> to vector<1x8x128xf32>
    %dot_general3A_352 = arith.constant dense<0.000000e+00> : vector<1024x128xf32>
    %dot_general3A_353 = tpu.matmul %dot_general3A_7, %get3A_345, %dot_general3A_352 {dimension_numbers = #tpu.dot_dimension_numbers<[1], [0], [0], [1], [0, 0, 1, 1], [], []>, transpose_lhs_hint = false} : vector<1024x32xf32>, vector<32x128xf32>, vector<1024x128xf32> -> vector<1024x128xf32>
    %reshape3A_354 = vector.shape_cast %dot_general3A_353 : vector<1024x128xf32> to vector<128x8x128xf32>
    %add3A_355 = vector.broadcast %reshape3A_351 : vector<1x8x128xf32> to vector<128x8x128xf32>
    %add3A_356 = arith.addf %reshape3A, %add3A_355 : vector<128x8x128xf32>
    %sub3A_357 = arith.subf %add3A_356, %reshape3A_354 : vector<128x8x128xf32>
    %lt3A_358 = arith.cmpf olt, %sub3A_357, %select_n3A_337 : vector<128x8x128xf32>
    %select_n3A_359 = arith.select %lt3A_358, %sub3A_357, %select_n3A_337 : vector<128x8x128xi1>, vector<128x8x128xf32>
    %broadcast_in_dim3A_360 = vector.broadcast %scan3A_340 : i32 to vector<128x8x128xi32>
    %select_n3A_361 = arith.select %lt3A_358, %broadcast_in_dim3A_360, %select_n3A_339 : vector<128x8x128xi1>, vector<128x8x128xi32>
    %scan3A_362 = arith.constant 16 : i32
    %mul3A_363 = arith.constant 128 : i32
    %mul3A_364 = arith.muli %scan3A_362, %mul3A_363 : i32
    %get3A_365 = arith.constant 0 : index
    %get3A_366 = arith.index_cast %mul3A_364 : i32 to index
    %get3A_367 = vector.load %arg9[%get3A_365, %get3A_366] : memref<32x8192xf32, #tpu.memory_space<vmem>>, vector<32x128xf32>
    %mul3A_368 = arith.constant 128 : i32
    %mul3A_369 = arith.muli %scan3A_362, %mul3A_368 : i32
    %get3A_370 = arith.constant 0 : index
    %get3A_371 = arith.index_cast %mul3A_369 : i32 to index
    %get3A_372 = vector.load %arg10[%get3A_370, %get3A_371] : memref<8x8192xf32, #tpu.memory_space<vmem>>, vector<8x128xf32>
    %reshape3A_373 = vector.shape_cast %get3A_372 : vector<8x128xf32> to vector<1x8x128xf32>
    %dot_general3A_374 = arith.constant dense<0.000000e+00> : vector<1024x128xf32>
    %dot_general3A_375 = tpu.matmul %dot_general3A_7, %get3A_367, %dot_general3A_374 {dimension_numbers = #tpu.dot_dimension_numbers<[1], [0], [0], [1], [0, 0, 1, 1], [], []>, transpose_lhs_hint = false} : vector<1024x32xf32>, vector<32x128xf32>, vector<1024x128xf32> -> vector<1024x128xf32>
    %reshape3A_376 = vector.shape_cast %dot_general3A_375 : vector<1024x128xf32> to vector<128x8x128xf32>
    %add3A_377 = vector.broadcast %reshape3A_373 : vector<1x8x128xf32> to vector<128x8x128xf32>
    %add3A_378 = arith.addf %reshape3A, %add3A_377 : vector<128x8x128xf32>
    %sub3A_379 = arith.subf %add3A_378, %reshape3A_376 : vector<128x8x128xf32>
    %lt3A_380 = arith.cmpf olt, %sub3A_379, %select_n3A_359 : vector<128x8x128xf32>
    %select_n3A_381 = arith.select %lt3A_380, %sub3A_379, %select_n3A_359 : vector<128x8x128xi1>, vector<128x8x128xf32>
    %broadcast_in_dim3A_382 = vector.broadcast %scan3A_362 : i32 to vector<128x8x128xi32>
    %select_n3A_383 = arith.select %lt3A_380, %broadcast_in_dim3A_382, %select_n3A_361 : vector<128x8x128xi1>, vector<128x8x128xi32>
    %scan3A_384 = arith.constant 17 : i32
    %mul3A_385 = arith.constant 128 : i32
    %mul3A_386 = arith.muli %scan3A_384, %mul3A_385 : i32
    %get3A_387 = arith.constant 0 : index
    %get3A_388 = arith.index_cast %mul3A_386 : i32 to index
    %get3A_389 = vector.load %arg9[%get3A_387, %get3A_388] : memref<32x8192xf32, #tpu.memory_space<vmem>>, vector<32x128xf32>
    %mul3A_390 = arith.constant 128 : i32
    %mul3A_391 = arith.muli %scan3A_384, %mul3A_390 : i32
    %get3A_392 = arith.constant 0 : index
    %get3A_393 = arith.index_cast %mul3A_391 : i32 to index
    %get3A_394 = vector.load %arg10[%get3A_392, %get3A_393] : memref<8x8192xf32, #tpu.memory_space<vmem>>, vector<8x128xf32>
    %reshape3A_395 = vector.shape_cast %get3A_394 : vector<8x128xf32> to vector<1x8x128xf32>
    %dot_general3A_396 = arith.constant dense<0.000000e+00> : vector<1024x128xf32>
    %dot_general3A_397 = tpu.matmul %dot_general3A_7, %get3A_389, %dot_general3A_396 {dimension_numbers = #tpu.dot_dimension_numbers<[1], [0], [0], [1], [0, 0, 1, 1], [], []>, transpose_lhs_hint = false} : vector<1024x32xf32>, vector<32x128xf32>, vector<1024x128xf32> -> vector<1024x128xf32>
    %reshape3A_398 = vector.shape_cast %dot_general3A_397 : vector<1024x128xf32> to vector<128x8x128xf32>
    %add3A_399 = vector.broadcast %reshape3A_395 : vector<1x8x128xf32> to vector<128x8x128xf32>
    %add3A_400 = arith.addf %reshape3A, %add3A_399 : vector<128x8x128xf32>
    %sub3A_401 = arith.subf %add3A_400, %reshape3A_398 : vector<128x8x128xf32>
    %lt3A_402 = arith.cmpf olt, %sub3A_401, %select_n3A_381 : vector<128x8x128xf32>
    %select_n3A_403 = arith.select %lt3A_402, %sub3A_401, %select_n3A_381 : vector<128x8x128xi1>, vector<128x8x128xf32>
    %broadcast_in_dim3A_404 = vector.broadcast %scan3A_384 : i32 to vector<128x8x128xi32>
    %select_n3A_405 = arith.select %lt3A_402, %broadcast_in_dim3A_404, %select_n3A_383 : vector<128x8x128xi1>, vector<128x8x128xi32>
    %scan3A_406 = arith.constant 18 : i32
    %mul3A_407 = arith.constant 128 : i32
    %mul3A_408 = arith.muli %scan3A_406, %mul3A_407 : i32
    %get3A_409 = arith.constant 0 : index
    %get3A_410 = arith.index_cast %mul3A_408 : i32 to index
    %get3A_411 = vector.load %arg9[%get3A_409, %get3A_410] : memref<32x8192xf32, #tpu.memory_space<vmem>>, vector<32x128xf32>
    %mul3A_412 = arith.constant 128 : i32
    %mul3A_413 = arith.muli %scan3A_406, %mul3A_412 : i32
    %get3A_414 = arith.constant 0 : index
    %get3A_415 = arith.index_cast %mul3A_413 : i32 to index
    %get3A_416 = vector.load %arg10[%get3A_414, %get3A_415] : memref<8x8192xf32, #tpu.memory_space<vmem>>, vector<8x128xf32>
    %reshape3A_417 = vector.shape_cast %get3A_416 : vector<8x128xf32> to vector<1x8x128xf32>
    %dot_general3A_418 = arith.constant dense<0.000000e+00> : vector<1024x128xf32>
    %dot_general3A_419 = tpu.matmul %dot_general3A_7, %get3A_411, %dot_general3A_418 {dimension_numbers = #tpu.dot_dimension_numbers<[1], [0], [0], [1], [0, 0, 1, 1], [], []>, transpose_lhs_hint = false} : vector<1024x32xf32>, vector<32x128xf32>, vector<1024x128xf32> -> vector<1024x128xf32>
    %reshape3A_420 = vector.shape_cast %dot_general3A_419 : vector<1024x128xf32> to vector<128x8x128xf32>
    %add3A_421 = vector.broadcast %reshape3A_417 : vector<1x8x128xf32> to vector<128x8x128xf32>
    %add3A_422 = arith.addf %reshape3A, %add3A_421 : vector<128x8x128xf32>
    %sub3A_423 = arith.subf %add3A_422, %reshape3A_420 : vector<128x8x128xf32>
    %lt3A_424 = arith.cmpf olt, %sub3A_423, %select_n3A_403 : vector<128x8x128xf32>
    %select_n3A_425 = arith.select %lt3A_424, %sub3A_423, %select_n3A_403 : vector<128x8x128xi1>, vector<128x8x128xf32>
    %broadcast_in_dim3A_426 = vector.broadcast %scan3A_406 : i32 to vector<128x8x128xi32>
    %select_n3A_427 = arith.select %lt3A_424, %broadcast_in_dim3A_426, %select_n3A_405 : vector<128x8x128xi1>, vector<128x8x128xi32>
    %scan3A_428 = arith.constant 19 : i32
    %mul3A_429 = arith.constant 128 : i32
    %mul3A_430 = arith.muli %scan3A_428, %mul3A_429 : i32
    %get3A_431 = arith.constant 0 : index
    %get3A_432 = arith.index_cast %mul3A_430 : i32 to index
    %get3A_433 = vector.load %arg9[%get3A_431, %get3A_432] : memref<32x8192xf32, #tpu.memory_space<vmem>>, vector<32x128xf32>
    %mul3A_434 = arith.constant 128 : i32
    %mul3A_435 = arith.muli %scan3A_428, %mul3A_434 : i32
    %get3A_436 = arith.constant 0 : index
    %get3A_437 = arith.index_cast %mul3A_435 : i32 to index
    %get3A_438 = vector.load %arg10[%get3A_436, %get3A_437] : memref<8x8192xf32, #tpu.memory_space<vmem>>, vector<8x128xf32>
    %reshape3A_439 = vector.shape_cast %get3A_438 : vector<8x128xf32> to vector<1x8x128xf32>
    %dot_general3A_440 = arith.constant dense<0.000000e+00> : vector<1024x128xf32>
    %dot_general3A_441 = tpu.matmul %dot_general3A_7, %get3A_433, %dot_general3A_440 {dimension_numbers = #tpu.dot_dimension_numbers<[1], [0], [0], [1], [0, 0, 1, 1], [], []>, transpose_lhs_hint = false} : vector<1024x32xf32>, vector<32x128xf32>, vector<1024x128xf32> -> vector<1024x128xf32>
    %reshape3A_442 = vector.shape_cast %dot_general3A_441 : vector<1024x128xf32> to vector<128x8x128xf32>
    %add3A_443 = vector.broadcast %reshape3A_439 : vector<1x8x128xf32> to vector<128x8x128xf32>
    %add3A_444 = arith.addf %reshape3A, %add3A_443 : vector<128x8x128xf32>
    %sub3A_445 = arith.subf %add3A_444, %reshape3A_442 : vector<128x8x128xf32>
    %lt3A_446 = arith.cmpf olt, %sub3A_445, %select_n3A_425 : vector<128x8x128xf32>
    %select_n3A_447 = arith.select %lt3A_446, %sub3A_445, %select_n3A_425 : vector<128x8x128xi1>, vector<128x8x128xf32>
    %broadcast_in_dim3A_448 = vector.broadcast %scan3A_428 : i32 to vector<128x8x128xi32>
    %select_n3A_449 = arith.select %lt3A_446, %broadcast_in_dim3A_448, %select_n3A_427 : vector<128x8x128xi1>, vector<128x8x128xi32>
    %scan3A_450 = arith.constant 20 : i32
    %mul3A_451 = arith.constant 128 : i32
    %mul3A_452 = arith.muli %scan3A_450, %mul3A_451 : i32
    %get3A_453 = arith.constant 0 : index
    %get3A_454 = arith.index_cast %mul3A_452 : i32 to index
    %get3A_455 = vector.load %arg9[%get3A_453, %get3A_454] : memref<32x8192xf32, #tpu.memory_space<vmem>>, vector<32x128xf32>
    %mul3A_456 = arith.constant 128 : i32
    %mul3A_457 = arith.muli %scan3A_450, %mul3A_456 : i32
    %get3A_458 = arith.constant 0 : index
    %get3A_459 = arith.index_cast %mul3A_457 : i32 to index
    %get3A_460 = vector.load %arg10[%get3A_458, %get3A_459] : memref<8x8192xf32, #tpu.memory_space<vmem>>, vector<8x128xf32>
    %reshape3A_461 = vector.shape_cast %get3A_460 : vector<8x128xf32> to vector<1x8x128xf32>
    %dot_general3A_462 = arith.constant dense<0.000000e+00> : vector<1024x128xf32>
    %dot_general3A_463 = tpu.matmul %dot_general3A_7, %get3A_455, %dot_general3A_462 {dimension_numbers = #tpu.dot_dimension_numbers<[1], [0], [0], [1], [0, 0, 1, 1], [], []>, transpose_lhs_hint = false} : vector<1024x32xf32>, vector<32x128xf32>, vector<1024x128xf32> -> vector<1024x128xf32>
    %reshape3A_464 = vector.shape_cast %dot_general3A_463 : vector<1024x128xf32> to vector<128x8x128xf32>
    %add3A_465 = vector.broadcast %reshape3A_461 : vector<1x8x128xf32> to vector<128x8x128xf32>
    %add3A_466 = arith.addf %reshape3A, %add3A_465 : vector<128x8x128xf32>
    %sub3A_467 = arith.subf %add3A_466, %reshape3A_464 : vector<128x8x128xf32>
    %lt3A_468 = arith.cmpf olt, %sub3A_467, %select_n3A_447 : vector<128x8x128xf32>
    %select_n3A_469 = arith.select %lt3A_468, %sub3A_467, %select_n3A_447 : vector<128x8x128xi1>, vector<128x8x128xf32>
    %broadcast_in_dim3A_470 = vector.broadcast %scan3A_450 : i32 to vector<128x8x128xi32>
    %select_n3A_471 = arith.select %lt3A_468, %broadcast_in_dim3A_470, %select_n3A_449 : vector<128x8x128xi1>, vector<128x8x128xi32>
    %scan3A_472 = arith.constant 21 : i32
    %mul3A_473 = arith.constant 128 : i32
    %mul3A_474 = arith.muli %scan3A_472, %mul3A_473 : i32
    %get3A_475 = arith.constant 0 : index
    %get3A_476 = arith.index_cast %mul3A_474 : i32 to index
    %get3A_477 = vector.load %arg9[%get3A_475, %get3A_476] : memref<32x8192xf32, #tpu.memory_space<vmem>>, vector<32x128xf32>
    %mul3A_478 = arith.constant 128 : i32
    %mul3A_479 = arith.muli %scan3A_472, %mul3A_478 : i32
    %get3A_480 = arith.constant 0 : index
    %get3A_481 = arith.index_cast %mul3A_479 : i32 to index
    %get3A_482 = vector.load %arg10[%get3A_480, %get3A_481] : memref<8x8192xf32, #tpu.memory_space<vmem>>, vector<8x128xf32>
    %reshape3A_483 = vector.shape_cast %get3A_482 : vector<8x128xf32> to vector<1x8x128xf32>
    %dot_general3A_484 = arith.constant dense<0.000000e+00> : vector<1024x128xf32>
    %dot_general3A_485 = tpu.matmul %dot_general3A_7, %get3A_477, %dot_general3A_484 {dimension_numbers = #tpu.dot_dimension_numbers<[1], [0], [0], [1], [0, 0, 1, 1], [], []>, transpose_lhs_hint = false} : vector<1024x32xf32>, vector<32x128xf32>, vector<1024x128xf32> -> vector<1024x128xf32>
    %reshape3A_486 = vector.shape_cast %dot_general3A_485 : vector<1024x128xf32> to vector<128x8x128xf32>
    %add3A_487 = vector.broadcast %reshape3A_483 : vector<1x8x128xf32> to vector<128x8x128xf32>
    %add3A_488 = arith.addf %reshape3A, %add3A_487 : vector<128x8x128xf32>
    %sub3A_489 = arith.subf %add3A_488, %reshape3A_486 : vector<128x8x128xf32>
    %lt3A_490 = arith.cmpf olt, %sub3A_489, %select_n3A_469 : vector<128x8x128xf32>
    %select_n3A_491 = arith.select %lt3A_490, %sub3A_489, %select_n3A_469 : vector<128x8x128xi1>, vector<128x8x128xf32>
    %broadcast_in_dim3A_492 = vector.broadcast %scan3A_472 : i32 to vector<128x8x128xi32>
    %select_n3A_493 = arith.select %lt3A_490, %broadcast_in_dim3A_492, %select_n3A_471 : vector<128x8x128xi1>, vector<128x8x128xi32>
    %scan3A_494 = arith.constant 22 : i32
    %mul3A_495 = arith.constant 128 : i32
    %mul3A_496 = arith.muli %scan3A_494, %mul3A_495 : i32
    %get3A_497 = arith.constant 0 : index
    %get3A_498 = arith.index_cast %mul3A_496 : i32 to index
    %get3A_499 = vector.load %arg9[%get3A_497, %get3A_498] : memref<32x8192xf32, #tpu.memory_space<vmem>>, vector<32x128xf32>
    %mul3A_500 = arith.constant 128 : i32
    %mul3A_501 = arith.muli %scan3A_494, %mul3A_500 : i32
    %get3A_502 = arith.constant 0 : index
    %get3A_503 = arith.index_cast %mul3A_501 : i32 to index
    %get3A_504 = vector.load %arg10[%get3A_502, %get3A_503] : memref<8x8192xf32, #tpu.memory_space<vmem>>, vector<8x128xf32>
    %reshape3A_505 = vector.shape_cast %get3A_504 : vector<8x128xf32> to vector<1x8x128xf32>
    %dot_general3A_506 = arith.constant dense<0.000000e+00> : vector<1024x128xf32>
    %dot_general3A_507 = tpu.matmul %dot_general3A_7, %get3A_499, %dot_general3A_506 {dimension_numbers = #tpu.dot_dimension_numbers<[1], [0], [0], [1], [0, 0, 1, 1], [], []>, transpose_lhs_hint = false} : vector<1024x32xf32>, vector<32x128xf32>, vector<1024x128xf32> -> vector<1024x128xf32>
    %reshape3A_508 = vector.shape_cast %dot_general3A_507 : vector<1024x128xf32> to vector<128x8x128xf32>
    %add3A_509 = vector.broadcast %reshape3A_505 : vector<1x8x128xf32> to vector<128x8x128xf32>
    %add3A_510 = arith.addf %reshape3A, %add3A_509 : vector<128x8x128xf32>
    %sub3A_511 = arith.subf %add3A_510, %reshape3A_508 : vector<128x8x128xf32>
    %lt3A_512 = arith.cmpf olt, %sub3A_511, %select_n3A_491 : vector<128x8x128xf32>
    %select_n3A_513 = arith.select %lt3A_512, %sub3A_511, %select_n3A_491 : vector<128x8x128xi1>, vector<128x8x128xf32>
    %broadcast_in_dim3A_514 = vector.broadcast %scan3A_494 : i32 to vector<128x8x128xi32>
    %select_n3A_515 = arith.select %lt3A_512, %broadcast_in_dim3A_514, %select_n3A_493 : vector<128x8x128xi1>, vector<128x8x128xi32>
    %scan3A_516 = arith.constant 23 : i32
    %mul3A_517 = arith.constant 128 : i32
    %mul3A_518 = arith.muli %scan3A_516, %mul3A_517 : i32
    %get3A_519 = arith.constant 0 : index
    %get3A_520 = arith.index_cast %mul3A_518 : i32 to index
    %get3A_521 = vector.load %arg9[%get3A_519, %get3A_520] : memref<32x8192xf32, #tpu.memory_space<vmem>>, vector<32x128xf32>
    %mul3A_522 = arith.constant 128 : i32
    %mul3A_523 = arith.muli %scan3A_516, %mul3A_522 : i32
    %get3A_524 = arith.constant 0 : index
    %get3A_525 = arith.index_cast %mul3A_523 : i32 to index
    %get3A_526 = vector.load %arg10[%get3A_524, %get3A_525] : memref<8x8192xf32, #tpu.memory_space<vmem>>, vector<8x128xf32>
    %reshape3A_527 = vector.shape_cast %get3A_526 : vector<8x128xf32> to vector<1x8x128xf32>
    %dot_general3A_528 = arith.constant dense<0.000000e+00> : vector<1024x128xf32>
    %dot_general3A_529 = tpu.matmul %dot_general3A_7, %get3A_521, %dot_general3A_528 {dimension_numbers = #tpu.dot_dimension_numbers<[1], [0], [0], [1], [0, 0, 1, 1], [], []>, transpose_lhs_hint = false} : vector<1024x32xf32>, vector<32x128xf32>, vector<1024x128xf32> -> vector<1024x128xf32>
    %reshape3A_530 = vector.shape_cast %dot_general3A_529 : vector<1024x128xf32> to vector<128x8x128xf32>
    %add3A_531 = vector.broadcast %reshape3A_527 : vector<1x8x128xf32> to vector<128x8x128xf32>
    %add3A_532 = arith.addf %reshape3A, %add3A_531 : vector<128x8x128xf32>
    %sub3A_533 = arith.subf %add3A_532, %reshape3A_530 : vector<128x8x128xf32>
    %lt3A_534 = arith.cmpf olt, %sub3A_533, %select_n3A_513 : vector<128x8x128xf32>
    %select_n3A_535 = arith.select %lt3A_534, %sub3A_533, %select_n3A_513 : vector<128x8x128xi1>, vector<128x8x128xf32>
    %broadcast_in_dim3A_536 = vector.broadcast %scan3A_516 : i32 to vector<128x8x128xi32>
    %select_n3A_537 = arith.select %lt3A_534, %broadcast_in_dim3A_536, %select_n3A_515 : vector<128x8x128xi1>, vector<128x8x128xi32>
    %scan3A_538 = arith.constant 24 : i32
    %mul3A_539 = arith.constant 128 : i32
    %mul3A_540 = arith.muli %scan3A_538, %mul3A_539 : i32
    %get3A_541 = arith.constant 0 : index
    %get3A_542 = arith.index_cast %mul3A_540 : i32 to index
    %get3A_543 = vector.load %arg9[%get3A_541, %get3A_542] : memref<32x8192xf32, #tpu.memory_space<vmem>>, vector<32x128xf32>
    %mul3A_544 = arith.constant 128 : i32
    %mul3A_545 = arith.muli %scan3A_538, %mul3A_544 : i32
    %get3A_546 = arith.constant 0 : index
    %get3A_547 = arith.index_cast %mul3A_545 : i32 to index
    %get3A_548 = vector.load %arg10[%get3A_546, %get3A_547] : memref<8x8192xf32, #tpu.memory_space<vmem>>, vector<8x128xf32>
    %reshape3A_549 = vector.shape_cast %get3A_548 : vector<8x128xf32> to vector<1x8x128xf32>
    %dot_general3A_550 = arith.constant dense<0.000000e+00> : vector<1024x128xf32>
    %dot_general3A_551 = tpu.matmul %dot_general3A_7, %get3A_543, %dot_general3A_550 {dimension_numbers = #tpu.dot_dimension_numbers<[1], [0], [0], [1], [0, 0, 1, 1], [], []>, transpose_lhs_hint = false} : vector<1024x32xf32>, vector<32x128xf32>, vector<1024x128xf32> -> vector<1024x128xf32>
    %reshape3A_552 = vector.shape_cast %dot_general3A_551 : vector<1024x128xf32> to vector<128x8x128xf32>
    %add3A_553 = vector.broadcast %reshape3A_549 : vector<1x8x128xf32> to vector<128x8x128xf32>
    %add3A_554 = arith.addf %reshape3A, %add3A_553 : vector<128x8x128xf32>
    %sub3A_555 = arith.subf %add3A_554, %reshape3A_552 : vector<128x8x128xf32>
    %lt3A_556 = arith.cmpf olt, %sub3A_555, %select_n3A_535 : vector<128x8x128xf32>
    %select_n3A_557 = arith.select %lt3A_556, %sub3A_555, %select_n3A_535 : vector<128x8x128xi1>, vector<128x8x128xf32>
    %broadcast_in_dim3A_558 = vector.broadcast %scan3A_538 : i32 to vector<128x8x128xi32>
    %select_n3A_559 = arith.select %lt3A_556, %broadcast_in_dim3A_558, %select_n3A_537 : vector<128x8x128xi1>, vector<128x8x128xi32>
    %scan3A_560 = arith.constant 25 : i32
    %mul3A_561 = arith.constant 128 : i32
    %mul3A_562 = arith.muli %scan3A_560, %mul3A_561 : i32
    %get3A_563 = arith.constant 0 : index
    %get3A_564 = arith.index_cast %mul3A_562 : i32 to index
    %get3A_565 = vector.load %arg9[%get3A_563, %get3A_564] : memref<32x8192xf32, #tpu.memory_space<vmem>>, vector<32x128xf32>
    %mul3A_566 = arith.constant 128 : i32
    %mul3A_567 = arith.muli %scan3A_560, %mul3A_566 : i32
    %get3A_568 = arith.constant 0 : index
    %get3A_569 = arith.index_cast %mul3A_567 : i32 to index
    %get3A_570 = vector.load %arg10[%get3A_568, %get3A_569] : memref<8x8192xf32, #tpu.memory_space<vmem>>, vector<8x128xf32>
    %reshape3A_571 = vector.shape_cast %get3A_570 : vector<8x128xf32> to vector<1x8x128xf32>
    %dot_general3A_572 = arith.constant dense<0.000000e+00> : vector<1024x128xf32>
    %dot_general3A_573 = tpu.matmul %dot_general3A_7, %get3A_565, %dot_general3A_572 {dimension_numbers = #tpu.dot_dimension_numbers<[1], [0], [0], [1], [0, 0, 1, 1], [], []>, transpose_lhs_hint = false} : vector<1024x32xf32>, vector<32x128xf32>, vector<1024x128xf32> -> vector<1024x128xf32>
    %reshape3A_574 = vector.shape_cast %dot_general3A_573 : vector<1024x128xf32> to vector<128x8x128xf32>
    %add3A_575 = vector.broadcast %reshape3A_571 : vector<1x8x128xf32> to vector<128x8x128xf32>
    %add3A_576 = arith.addf %reshape3A, %add3A_575 : vector<128x8x128xf32>
    %sub3A_577 = arith.subf %add3A_576, %reshape3A_574 : vector<128x8x128xf32>
    %lt3A_578 = arith.cmpf olt, %sub3A_577, %select_n3A_557 : vector<128x8x128xf32>
    %select_n3A_579 = arith.select %lt3A_578, %sub3A_577, %select_n3A_557 : vector<128x8x128xi1>, vector<128x8x128xf32>
    %broadcast_in_dim3A_580 = vector.broadcast %scan3A_560 : i32 to vector<128x8x128xi32>
    %select_n3A_581 = arith.select %lt3A_578, %broadcast_in_dim3A_580, %select_n3A_559 : vector<128x8x128xi1>, vector<128x8x128xi32>
    %scan3A_582 = arith.constant 26 : i32
    %mul3A_583 = arith.constant 128 : i32
    %mul3A_584 = arith.muli %scan3A_582, %mul3A_583 : i32
    %get3A_585 = arith.constant 0 : index
    %get3A_586 = arith.index_cast %mul3A_584 : i32 to index
    %get3A_587 = vector.load %arg9[%get3A_585, %get3A_586] : memref<32x8192xf32, #tpu.memory_space<vmem>>, vector<32x128xf32>
    %mul3A_588 = arith.constant 128 : i32
    %mul3A_589 = arith.muli %scan3A_582, %mul3A_588 : i32
    %get3A_590 = arith.constant 0 : index
    %get3A_591 = arith.index_cast %mul3A_589 : i32 to index
    %get3A_592 = vector.load %arg10[%get3A_590, %get3A_591] : memref<8x8192xf32, #tpu.memory_space<vmem>>, vector<8x128xf32>
    %reshape3A_593 = vector.shape_cast %get3A_592 : vector<8x128xf32> to vector<1x8x128xf32>
    %dot_general3A_594 = arith.constant dense<0.000000e+00> : vector<1024x128xf32>
    %dot_general3A_595 = tpu.matmul %dot_general3A_7, %get3A_587, %dot_general3A_594 {dimension_numbers = #tpu.dot_dimension_numbers<[1], [0], [0], [1], [0, 0, 1, 1], [], []>, transpose_lhs_hint = false} : vector<1024x32xf32>, vector<32x128xf32>, vector<1024x128xf32> -> vector<1024x128xf32>
    %reshape3A_596 = vector.shape_cast %dot_general3A_595 : vector<1024x128xf32> to vector<128x8x128xf32>
    %add3A_597 = vector.broadcast %reshape3A_593 : vector<1x8x128xf32> to vector<128x8x128xf32>
    %add3A_598 = arith.addf %reshape3A, %add3A_597 : vector<128x8x128xf32>
    %sub3A_599 = arith.subf %add3A_598, %reshape3A_596 : vector<128x8x128xf32>
    %lt3A_600 = arith.cmpf olt, %sub3A_599, %select_n3A_579 : vector<128x8x128xf32>
    %select_n3A_601 = arith.select %lt3A_600, %sub3A_599, %select_n3A_579 : vector<128x8x128xi1>, vector<128x8x128xf32>
    %broadcast_in_dim3A_602 = vector.broadcast %scan3A_582 : i32 to vector<128x8x128xi32>
    %select_n3A_603 = arith.select %lt3A_600, %broadcast_in_dim3A_602, %select_n3A_581 : vector<128x8x128xi1>, vector<128x8x128xi32>
    %scan3A_604 = arith.constant 27 : i32
    %mul3A_605 = arith.constant 128 : i32
    %mul3A_606 = arith.muli %scan3A_604, %mul3A_605 : i32
    %get3A_607 = arith.constant 0 : index
    %get3A_608 = arith.index_cast %mul3A_606 : i32 to index
    %get3A_609 = vector.load %arg9[%get3A_607, %get3A_608] : memref<32x8192xf32, #tpu.memory_space<vmem>>, vector<32x128xf32>
    %mul3A_610 = arith.constant 128 : i32
    %mul3A_611 = arith.muli %scan3A_604, %mul3A_610 : i32
    %get3A_612 = arith.constant 0 : index
    %get3A_613 = arith.index_cast %mul3A_611 : i32 to index
    %get3A_614 = vector.load %arg10[%get3A_612, %get3A_613] : memref<8x8192xf32, #tpu.memory_space<vmem>>, vector<8x128xf32>
    %reshape3A_615 = vector.shape_cast %get3A_614 : vector<8x128xf32> to vector<1x8x128xf32>
    %dot_general3A_616 = arith.constant dense<0.000000e+00> : vector<1024x128xf32>
    %dot_general3A_617 = tpu.matmul %dot_general3A_7, %get3A_609, %dot_general3A_616 {dimension_numbers = #tpu.dot_dimension_numbers<[1], [0], [0], [1], [0, 0, 1, 1], [], []>, transpose_lhs_hint = false} : vector<1024x32xf32>, vector<32x128xf32>, vector<1024x128xf32> -> vector<1024x128xf32>
    %reshape3A_618 = vector.shape_cast %dot_general3A_617 : vector<1024x128xf32> to vector<128x8x128xf32>
    %add3A_619 = vector.broadcast %reshape3A_615 : vector<1x8x128xf32> to vector<128x8x128xf32>
    %add3A_620 = arith.addf %reshape3A, %add3A_619 : vector<128x8x128xf32>
    %sub3A_621 = arith.subf %add3A_620, %reshape3A_618 : vector<128x8x128xf32>
    %lt3A_622 = arith.cmpf olt, %sub3A_621, %select_n3A_601 : vector<128x8x128xf32>
    %select_n3A_623 = arith.select %lt3A_622, %sub3A_621, %select_n3A_601 : vector<128x8x128xi1>, vector<128x8x128xf32>
    %broadcast_in_dim3A_624 = vector.broadcast %scan3A_604 : i32 to vector<128x8x128xi32>
    %select_n3A_625 = arith.select %lt3A_622, %broadcast_in_dim3A_624, %select_n3A_603 : vector<128x8x128xi1>, vector<128x8x128xi32>
    %scan3A_626 = arith.constant 28 : i32
    %mul3A_627 = arith.constant 128 : i32
    %mul3A_628 = arith.muli %scan3A_626, %mul3A_627 : i32
    %get3A_629 = arith.constant 0 : index
    %get3A_630 = arith.index_cast %mul3A_628 : i32 to index
    %get3A_631 = vector.load %arg9[%get3A_629, %get3A_630] : memref<32x8192xf32, #tpu.memory_space<vmem>>, vector<32x128xf32>
    %mul3A_632 = arith.constant 128 : i32
    %mul3A_633 = arith.muli %scan3A_626, %mul3A_632 : i32
    %get3A_634 = arith.constant 0 : index
    %get3A_635 = arith.index_cast %mul3A_633 : i32 to index
    %get3A_636 = vector.load %arg10[%get3A_634, %get3A_635] : memref<8x8192xf32, #tpu.memory_space<vmem>>, vector<8x128xf32>
    %reshape3A_637 = vector.shape_cast %get3A_636 : vector<8x128xf32> to vector<1x8x128xf32>
    %dot_general3A_638 = arith.constant dense<0.000000e+00> : vector<1024x128xf32>
    %dot_general3A_639 = tpu.matmul %dot_general3A_7, %get3A_631, %dot_general3A_638 {dimension_numbers = #tpu.dot_dimension_numbers<[1], [0], [0], [1], [0, 0, 1, 1], [], []>, transpose_lhs_hint = false} : vector<1024x32xf32>, vector<32x128xf32>, vector<1024x128xf32> -> vector<1024x128xf32>
    %reshape3A_640 = vector.shape_cast %dot_general3A_639 : vector<1024x128xf32> to vector<128x8x128xf32>
    %add3A_641 = vector.broadcast %reshape3A_637 : vector<1x8x128xf32> to vector<128x8x128xf32>
    %add3A_642 = arith.addf %reshape3A, %add3A_641 : vector<128x8x128xf32>
    %sub3A_643 = arith.subf %add3A_642, %reshape3A_640 : vector<128x8x128xf32>
    %lt3A_644 = arith.cmpf olt, %sub3A_643, %select_n3A_623 : vector<128x8x128xf32>
    %select_n3A_645 = arith.select %lt3A_644, %sub3A_643, %select_n3A_623 : vector<128x8x128xi1>, vector<128x8x128xf32>
    %broadcast_in_dim3A_646 = vector.broadcast %scan3A_626 : i32 to vector<128x8x128xi32>
    %select_n3A_647 = arith.select %lt3A_644, %broadcast_in_dim3A_646, %select_n3A_625 : vector<128x8x128xi1>, vector<128x8x128xi32>
    %scan3A_648 = arith.constant 29 : i32
    %mul3A_649 = arith.constant 128 : i32
    %mul3A_650 = arith.muli %scan3A_648, %mul3A_649 : i32
    %get3A_651 = arith.constant 0 : index
    %get3A_652 = arith.index_cast %mul3A_650 : i32 to index
    %get3A_653 = vector.load %arg9[%get3A_651, %get3A_652] : memref<32x8192xf32, #tpu.memory_space<vmem>>, vector<32x128xf32>
    %mul3A_654 = arith.constant 128 : i32
    %mul3A_655 = arith.muli %scan3A_648, %mul3A_654 : i32
    %get3A_656 = arith.constant 0 : index
    %get3A_657 = arith.index_cast %mul3A_655 : i32 to index
    %get3A_658 = vector.load %arg10[%get3A_656, %get3A_657] : memref<8x8192xf32, #tpu.memory_space<vmem>>, vector<8x128xf32>
    %reshape3A_659 = vector.shape_cast %get3A_658 : vector<8x128xf32> to vector<1x8x128xf32>
    %dot_general3A_660 = arith.constant dense<0.000000e+00> : vector<1024x128xf32>
    %dot_general3A_661 = tpu.matmul %dot_general3A_7, %get3A_653, %dot_general3A_660 {dimension_numbers = #tpu.dot_dimension_numbers<[1], [0], [0], [1], [0, 0, 1, 1], [], []>, transpose_lhs_hint = false} : vector<1024x32xf32>, vector<32x128xf32>, vector<1024x128xf32> -> vector<1024x128xf32>
    %reshape3A_662 = vector.shape_cast %dot_general3A_661 : vector<1024x128xf32> to vector<128x8x128xf32>
    %add3A_663 = vector.broadcast %reshape3A_659 : vector<1x8x128xf32> to vector<128x8x128xf32>
    %add3A_664 = arith.addf %reshape3A, %add3A_663 : vector<128x8x128xf32>
    %sub3A_665 = arith.subf %add3A_664, %reshape3A_662 : vector<128x8x128xf32>
    %lt3A_666 = arith.cmpf olt, %sub3A_665, %select_n3A_645 : vector<128x8x128xf32>
    %select_n3A_667 = arith.select %lt3A_666, %sub3A_665, %select_n3A_645 : vector<128x8x128xi1>, vector<128x8x128xf32>
    %broadcast_in_dim3A_668 = vector.broadcast %scan3A_648 : i32 to vector<128x8x128xi32>
    %select_n3A_669 = arith.select %lt3A_666, %broadcast_in_dim3A_668, %select_n3A_647 : vector<128x8x128xi1>, vector<128x8x128xi32>
    %scan3A_670 = arith.constant 30 : i32
    %mul3A_671 = arith.constant 128 : i32
    %mul3A_672 = arith.muli %scan3A_670, %mul3A_671 : i32
    %get3A_673 = arith.constant 0 : index
    %get3A_674 = arith.index_cast %mul3A_672 : i32 to index
    %get3A_675 = vector.load %arg9[%get3A_673, %get3A_674] : memref<32x8192xf32, #tpu.memory_space<vmem>>, vector<32x128xf32>
    %mul3A_676 = arith.constant 128 : i32
    %mul3A_677 = arith.muli %scan3A_670, %mul3A_676 : i32
    %get3A_678 = arith.constant 0 : index
    %get3A_679 = arith.index_cast %mul3A_677 : i32 to index
    %get3A_680 = vector.load %arg10[%get3A_678, %get3A_679] : memref<8x8192xf32, #tpu.memory_space<vmem>>, vector<8x128xf32>
    %reshape3A_681 = vector.shape_cast %get3A_680 : vector<8x128xf32> to vector<1x8x128xf32>
    %dot_general3A_682 = arith.constant dense<0.000000e+00> : vector<1024x128xf32>
    %dot_general3A_683 = tpu.matmul %dot_general3A_7, %get3A_675, %dot_general3A_682 {dimension_numbers = #tpu.dot_dimension_numbers<[1], [0], [0], [1], [0, 0, 1, 1], [], []>, transpose_lhs_hint = false} : vector<1024x32xf32>, vector<32x128xf32>, vector<1024x128xf32> -> vector<1024x128xf32>
    %reshape3A_684 = vector.shape_cast %dot_general3A_683 : vector<1024x128xf32> to vector<128x8x128xf32>
    %add3A_685 = vector.broadcast %reshape3A_681 : vector<1x8x128xf32> to vector<128x8x128xf32>
    %add3A_686 = arith.addf %reshape3A, %add3A_685 : vector<128x8x128xf32>
    %sub3A_687 = arith.subf %add3A_686, %reshape3A_684 : vector<128x8x128xf32>
    %lt3A_688 = arith.cmpf olt, %sub3A_687, %select_n3A_667 : vector<128x8x128xf32>
    %select_n3A_689 = arith.select %lt3A_688, %sub3A_687, %select_n3A_667 : vector<128x8x128xi1>, vector<128x8x128xf32>
    %broadcast_in_dim3A_690 = vector.broadcast %scan3A_670 : i32 to vector<128x8x128xi32>
    %select_n3A_691 = arith.select %lt3A_688, %broadcast_in_dim3A_690, %select_n3A_669 : vector<128x8x128xi1>, vector<128x8x128xi32>
    %scan3A_692 = arith.constant 31 : i32
    %mul3A_693 = arith.constant 128 : i32
    %mul3A_694 = arith.muli %scan3A_692, %mul3A_693 : i32
    %get3A_695 = arith.constant 0 : index
    %get3A_696 = arith.index_cast %mul3A_694 : i32 to index
    %get3A_697 = vector.load %arg9[%get3A_695, %get3A_696] : memref<32x8192xf32, #tpu.memory_space<vmem>>, vector<32x128xf32>
    %mul3A_698 = arith.constant 128 : i32
    %mul3A_699 = arith.muli %scan3A_692, %mul3A_698 : i32
    %get3A_700 = arith.constant 0 : index
    %get3A_701 = arith.index_cast %mul3A_699 : i32 to index
    %get3A_702 = vector.load %arg10[%get3A_700, %get3A_701] : memref<8x8192xf32, #tpu.memory_space<vmem>>, vector<8x128xf32>
    %reshape3A_703 = vector.shape_cast %get3A_702 : vector<8x128xf32> to vector<1x8x128xf32>
    %dot_general3A_704 = arith.constant dense<0.000000e+00> : vector<1024x128xf32>
    %dot_general3A_705 = tpu.matmul %dot_general3A_7, %get3A_697, %dot_general3A_704 {dimension_numbers = #tpu.dot_dimension_numbers<[1], [0], [0], [1], [0, 0, 1, 1], [], []>, transpose_lhs_hint = false} : vector<1024x32xf32>, vector<32x128xf32>, vector<1024x128xf32> -> vector<1024x128xf32>
    %reshape3A_706 = vector.shape_cast %dot_general3A_705 : vector<1024x128xf32> to vector<128x8x128xf32>
    %add3A_707 = vector.broadcast %reshape3A_703 : vector<1x8x128xf32> to vector<128x8x128xf32>
    %add3A_708 = arith.addf %reshape3A, %add3A_707 : vector<128x8x128xf32>
    %sub3A_709 = arith.subf %add3A_708, %reshape3A_706 : vector<128x8x128xf32>
    %lt3A_710 = arith.cmpf olt, %sub3A_709, %select_n3A_689 : vector<128x8x128xf32>
    %select_n3A_711 = arith.select %lt3A_710, %sub3A_709, %select_n3A_689 : vector<128x8x128xi1>, vector<128x8x128xf32>
    %broadcast_in_dim3A_712 = vector.broadcast %scan3A_692 : i32 to vector<128x8x128xi32>
    %select_n3A_713 = arith.select %lt3A_710, %broadcast_in_dim3A_712, %select_n3A_691 : vector<128x8x128xi1>, vector<128x8x128xi32>
    %scan3A_714 = arith.constant 32 : i32
    %mul3A_715 = arith.constant 128 : i32
    %mul3A_716 = arith.muli %scan3A_714, %mul3A_715 : i32
    %get3A_717 = arith.constant 0 : index
    %get3A_718 = arith.index_cast %mul3A_716 : i32 to index
    %get3A_719 = vector.load %arg9[%get3A_717, %get3A_718] : memref<32x8192xf32, #tpu.memory_space<vmem>>, vector<32x128xf32>
    %mul3A_720 = arith.constant 128 : i32
    %mul3A_721 = arith.muli %scan3A_714, %mul3A_720 : i32
    %get3A_722 = arith.constant 0 : index
    %get3A_723 = arith.index_cast %mul3A_721 : i32 to index
    %get3A_724 = vector.load %arg10[%get3A_722, %get3A_723] : memref<8x8192xf32, #tpu.memory_space<vmem>>, vector<8x128xf32>
    %reshape3A_725 = vector.shape_cast %get3A_724 : vector<8x128xf32> to vector<1x8x128xf32>
    %dot_general3A_726 = arith.constant dense<0.000000e+00> : vector<1024x128xf32>
    %dot_general3A_727 = tpu.matmul %dot_general3A_7, %get3A_719, %dot_general3A_726 {dimension_numbers = #tpu.dot_dimension_numbers<[1], [0], [0], [1], [0, 0, 1, 1], [], []>, transpose_lhs_hint = false} : vector<1024x32xf32>, vector<32x128xf32>, vector<1024x128xf32> -> vector<1024x128xf32>
    %reshape3A_728 = vector.shape_cast %dot_general3A_727 : vector<1024x128xf32> to vector<128x8x128xf32>
    %add3A_729 = vector.broadcast %reshape3A_725 : vector<1x8x128xf32> to vector<128x8x128xf32>
    %add3A_730 = arith.addf %reshape3A, %add3A_729 : vector<128x8x128xf32>
    %sub3A_731 = arith.subf %add3A_730, %reshape3A_728 : vector<128x8x128xf32>
    %lt3A_732 = arith.cmpf olt, %sub3A_731, %select_n3A_711 : vector<128x8x128xf32>
    %select_n3A_733 = arith.select %lt3A_732, %sub3A_731, %select_n3A_711 : vector<128x8x128xi1>, vector<128x8x128xf32>
    %broadcast_in_dim3A_734 = vector.broadcast %scan3A_714 : i32 to vector<128x8x128xi32>
    %select_n3A_735 = arith.select %lt3A_732, %broadcast_in_dim3A_734, %select_n3A_713 : vector<128x8x128xi1>, vector<128x8x128xi32>
    %scan3A_736 = arith.constant 33 : i32
    %mul3A_737 = arith.constant 128 : i32
    %mul3A_738 = arith.muli %scan3A_736, %mul3A_737 : i32
    %get3A_739 = arith.constant 0 : index
    %get3A_740 = arith.index_cast %mul3A_738 : i32 to index
    %get3A_741 = vector.load %arg9[%get3A_739, %get3A_740] : memref<32x8192xf32, #tpu.memory_space<vmem>>, vector<32x128xf32>
    %mul3A_742 = arith.constant 128 : i32
    %mul3A_743 = arith.muli %scan3A_736, %mul3A_742 : i32
    %get3A_744 = arith.constant 0 : index
    %get3A_745 = arith.index_cast %mul3A_743 : i32 to index
    %get3A_746 = vector.load %arg10[%get3A_744, %get3A_745] : memref<8x8192xf32, #tpu.memory_space<vmem>>, vector<8x128xf32>
    %reshape3A_747 = vector.shape_cast %get3A_746 : vector<8x128xf32> to vector<1x8x128xf32>
    %dot_general3A_748 = arith.constant dense<0.000000e+00> : vector<1024x128xf32>
    %dot_general3A_749 = tpu.matmul %dot_general3A_7, %get3A_741, %dot_general3A_748 {dimension_numbers = #tpu.dot_dimension_numbers<[1], [0], [0], [1], [0, 0, 1, 1], [], []>, transpose_lhs_hint = false} : vector<1024x32xf32>, vector<32x128xf32>, vector<1024x128xf32> -> vector<1024x128xf32>
    %reshape3A_750 = vector.shape_cast %dot_general3A_749 : vector<1024x128xf32> to vector<128x8x128xf32>
    %add3A_751 = vector.broadcast %reshape3A_747 : vector<1x8x128xf32> to vector<128x8x128xf32>
    %add3A_752 = arith.addf %reshape3A, %add3A_751 : vector<128x8x128xf32>
    %sub3A_753 = arith.subf %add3A_752, %reshape3A_750 : vector<128x8x128xf32>
    %lt3A_754 = arith.cmpf olt, %sub3A_753, %select_n3A_733 : vector<128x8x128xf32>
    %select_n3A_755 = arith.select %lt3A_754, %sub3A_753, %select_n3A_733 : vector<128x8x128xi1>, vector<128x8x128xf32>
    %broadcast_in_dim3A_756 = vector.broadcast %scan3A_736 : i32 to vector<128x8x128xi32>
    %select_n3A_757 = arith.select %lt3A_754, %broadcast_in_dim3A_756, %select_n3A_735 : vector<128x8x128xi1>, vector<128x8x128xi32>
    %scan3A_758 = arith.constant 34 : i32
    %mul3A_759 = arith.constant 128 : i32
    %mul3A_760 = arith.muli %scan3A_758, %mul3A_759 : i32
    %get3A_761 = arith.constant 0 : index
    %get3A_762 = arith.index_cast %mul3A_760 : i32 to index
    %get3A_763 = vector.load %arg9[%get3A_761, %get3A_762] : memref<32x8192xf32, #tpu.memory_space<vmem>>, vector<32x128xf32>
    %mul3A_764 = arith.constant 128 : i32
    %mul3A_765 = arith.muli %scan3A_758, %mul3A_764 : i32
    %get3A_766 = arith.constant 0 : index
    %get3A_767 = arith.index_cast %mul3A_765 : i32 to index
    %get3A_768 = vector.load %arg10[%get3A_766, %get3A_767] : memref<8x8192xf32, #tpu.memory_space<vmem>>, vector<8x128xf32>
    %reshape3A_769 = vector.shape_cast %get3A_768 : vector<8x128xf32> to vector<1x8x128xf32>
    %dot_general3A_770 = arith.constant dense<0.000000e+00> : vector<1024x128xf32>
    %dot_general3A_771 = tpu.matmul %dot_general3A_7, %get3A_763, %dot_general3A_770 {dimension_numbers = #tpu.dot_dimension_numbers<[1], [0], [0], [1], [0, 0, 1, 1], [], []>, transpose_lhs_hint = false} : vector<1024x32xf32>, vector<32x128xf32>, vector<1024x128xf32> -> vector<1024x128xf32>
    %reshape3A_772 = vector.shape_cast %dot_general3A_771 : vector<1024x128xf32> to vector<128x8x128xf32>
    %add3A_773 = vector.broadcast %reshape3A_769 : vector<1x8x128xf32> to vector<128x8x128xf32>
    %add3A_774 = arith.addf %reshape3A, %add3A_773 : vector<128x8x128xf32>
    %sub3A_775 = arith.subf %add3A_774, %reshape3A_772 : vector<128x8x128xf32>
    %lt3A_776 = arith.cmpf olt, %sub3A_775, %select_n3A_755 : vector<128x8x128xf32>
    %select_n3A_777 = arith.select %lt3A_776, %sub3A_775, %select_n3A_755 : vector<128x8x128xi1>, vector<128x8x128xf32>
    %broadcast_in_dim3A_778 = vector.broadcast %scan3A_758 : i32 to vector<128x8x128xi32>
    %select_n3A_779 = arith.select %lt3A_776, %broadcast_in_dim3A_778, %select_n3A_757 : vector<128x8x128xi1>, vector<128x8x128xi32>
    %scan3A_780 = arith.constant 35 : i32
    %mul3A_781 = arith.constant 128 : i32
    %mul3A_782 = arith.muli %scan3A_780, %mul3A_781 : i32
    %get3A_783 = arith.constant 0 : index
    %get3A_784 = arith.index_cast %mul3A_782 : i32 to index
    %get3A_785 = vector.load %arg9[%get3A_783, %get3A_784] : memref<32x8192xf32, #tpu.memory_space<vmem>>, vector<32x128xf32>
    %mul3A_786 = arith.constant 128 : i32
    %mul3A_787 = arith.muli %scan3A_780, %mul3A_786 : i32
    %get3A_788 = arith.constant 0 : index
    %get3A_789 = arith.index_cast %mul3A_787 : i32 to index
    %get3A_790 = vector.load %arg10[%get3A_788, %get3A_789] : memref<8x8192xf32, #tpu.memory_space<vmem>>, vector<8x128xf32>
    %reshape3A_791 = vector.shape_cast %get3A_790 : vector<8x128xf32> to vector<1x8x128xf32>
    %dot_general3A_792 = arith.constant dense<0.000000e+00> : vector<1024x128xf32>
    %dot_general3A_793 = tpu.matmul %dot_general3A_7, %get3A_785, %dot_general3A_792 {dimension_numbers = #tpu.dot_dimension_numbers<[1], [0], [0], [1], [0, 0, 1, 1], [], []>, transpose_lhs_hint = false} : vector<1024x32xf32>, vector<32x128xf32>, vector<1024x128xf32> -> vector<1024x128xf32>
    %reshape3A_794 = vector.shape_cast %dot_general3A_793 : vector<1024x128xf32> to vector<128x8x128xf32>
    %add3A_795 = vector.broadcast %reshape3A_791 : vector<1x8x128xf32> to vector<128x8x128xf32>
    %add3A_796 = arith.addf %reshape3A, %add3A_795 : vector<128x8x128xf32>
    %sub3A_797 = arith.subf %add3A_796, %reshape3A_794 : vector<128x8x128xf32>
    %lt3A_798 = arith.cmpf olt, %sub3A_797, %select_n3A_777 : vector<128x8x128xf32>
    %select_n3A_799 = arith.select %lt3A_798, %sub3A_797, %select_n3A_777 : vector<128x8x128xi1>, vector<128x8x128xf32>
    %broadcast_in_dim3A_800 = vector.broadcast %scan3A_780 : i32 to vector<128x8x128xi32>
    %select_n3A_801 = arith.select %lt3A_798, %broadcast_in_dim3A_800, %select_n3A_779 : vector<128x8x128xi1>, vector<128x8x128xi32>
    %scan3A_802 = arith.constant 36 : i32
    %mul3A_803 = arith.constant 128 : i32
    %mul3A_804 = arith.muli %scan3A_802, %mul3A_803 : i32
    %get3A_805 = arith.constant 0 : index
    %get3A_806 = arith.index_cast %mul3A_804 : i32 to index
    %get3A_807 = vector.load %arg9[%get3A_805, %get3A_806] : memref<32x8192xf32, #tpu.memory_space<vmem>>, vector<32x128xf32>
    %mul3A_808 = arith.constant 128 : i32
    %mul3A_809 = arith.muli %scan3A_802, %mul3A_808 : i32
    %get3A_810 = arith.constant 0 : index
    %get3A_811 = arith.index_cast %mul3A_809 : i32 to index
    %get3A_812 = vector.load %arg10[%get3A_810, %get3A_811] : memref<8x8192xf32, #tpu.memory_space<vmem>>, vector<8x128xf32>
    %reshape3A_813 = vector.shape_cast %get3A_812 : vector<8x128xf32> to vector<1x8x128xf32>
    %dot_general3A_814 = arith.constant dense<0.000000e+00> : vector<1024x128xf32>
    %dot_general3A_815 = tpu.matmul %dot_general3A_7, %get3A_807, %dot_general3A_814 {dimension_numbers = #tpu.dot_dimension_numbers<[1], [0], [0], [1], [0, 0, 1, 1], [], []>, transpose_lhs_hint = false} : vector<1024x32xf32>, vector<32x128xf32>, vector<1024x128xf32> -> vector<1024x128xf32>
    %reshape3A_816 = vector.shape_cast %dot_general3A_815 : vector<1024x128xf32> to vector<128x8x128xf32>
    %add3A_817 = vector.broadcast %reshape3A_813 : vector<1x8x128xf32> to vector<128x8x128xf32>
    %add3A_818 = arith.addf %reshape3A, %add3A_817 : vector<128x8x128xf32>
    %sub3A_819 = arith.subf %add3A_818, %reshape3A_816 : vector<128x8x128xf32>
    %lt3A_820 = arith.cmpf olt, %sub3A_819, %select_n3A_799 : vector<128x8x128xf32>
    %select_n3A_821 = arith.select %lt3A_820, %sub3A_819, %select_n3A_799 : vector<128x8x128xi1>, vector<128x8x128xf32>
    %broadcast_in_dim3A_822 = vector.broadcast %scan3A_802 : i32 to vector<128x8x128xi32>
    %select_n3A_823 = arith.select %lt3A_820, %broadcast_in_dim3A_822, %select_n3A_801 : vector<128x8x128xi1>, vector<128x8x128xi32>
    %scan3A_824 = arith.constant 37 : i32
    %mul3A_825 = arith.constant 128 : i32
    %mul3A_826 = arith.muli %scan3A_824, %mul3A_825 : i32
    %get3A_827 = arith.constant 0 : index
    %get3A_828 = arith.index_cast %mul3A_826 : i32 to index
    %get3A_829 = vector.load %arg9[%get3A_827, %get3A_828] : memref<32x8192xf32, #tpu.memory_space<vmem>>, vector<32x128xf32>
    %mul3A_830 = arith.constant 128 : i32
    %mul3A_831 = arith.muli %scan3A_824, %mul3A_830 : i32
    %get3A_832 = arith.constant 0 : index
    %get3A_833 = arith.index_cast %mul3A_831 : i32 to index
    %get3A_834 = vector.load %arg10[%get3A_832, %get3A_833] : memref<8x8192xf32, #tpu.memory_space<vmem>>, vector<8x128xf32>
    %reshape3A_835 = vector.shape_cast %get3A_834 : vector<8x128xf32> to vector<1x8x128xf32>
    %dot_general3A_836 = arith.constant dense<0.000000e+00> : vector<1024x128xf32>
    %dot_general3A_837 = tpu.matmul %dot_general3A_7, %get3A_829, %dot_general3A_836 {dimension_numbers = #tpu.dot_dimension_numbers<[1], [0], [0], [1], [0, 0, 1, 1], [], []>, transpose_lhs_hint = false} : vector<1024x32xf32>, vector<32x128xf32>, vector<1024x128xf32> -> vector<1024x128xf32>
    %reshape3A_838 = vector.shape_cast %dot_general3A_837 : vector<1024x128xf32> to vector<128x8x128xf32>
    %add3A_839 = vector.broadcast %reshape3A_835 : vector<1x8x128xf32> to vector<128x8x128xf32>
    %add3A_840 = arith.addf %reshape3A, %add3A_839 : vector<128x8x128xf32>
    %sub3A_841 = arith.subf %add3A_840, %reshape3A_838 : vector<128x8x128xf32>
    %lt3A_842 = arith.cmpf olt, %sub3A_841, %select_n3A_821 : vector<128x8x128xf32>
    %select_n3A_843 = arith.select %lt3A_842, %sub3A_841, %select_n3A_821 : vector<128x8x128xi1>, vector<128x8x128xf32>
    %broadcast_in_dim3A_844 = vector.broadcast %scan3A_824 : i32 to vector<128x8x128xi32>
    %select_n3A_845 = arith.select %lt3A_842, %broadcast_in_dim3A_844, %select_n3A_823 : vector<128x8x128xi1>, vector<128x8x128xi32>
    %scan3A_846 = arith.constant 38 : i32
    %mul3A_847 = arith.constant 128 : i32
    %mul3A_848 = arith.muli %scan3A_846, %mul3A_847 : i32
    %get3A_849 = arith.constant 0 : index
    %get3A_850 = arith.index_cast %mul3A_848 : i32 to index
    %get3A_851 = vector.load %arg9[%get3A_849, %get3A_850] : memref<32x8192xf32, #tpu.memory_space<vmem>>, vector<32x128xf32>
    %mul3A_852 = arith.constant 128 : i32
    %mul3A_853 = arith.muli %scan3A_846, %mul3A_852 : i32
    %get3A_854 = arith.constant 0 : index
    %get3A_855 = arith.index_cast %mul3A_853 : i32 to index
    %get3A_856 = vector.load %arg10[%get3A_854, %get3A_855] : memref<8x8192xf32, #tpu.memory_space<vmem>>, vector<8x128xf32>
    %reshape3A_857 = vector.shape_cast %get3A_856 : vector<8x128xf32> to vector<1x8x128xf32>
    %dot_general3A_858 = arith.constant dense<0.000000e+00> : vector<1024x128xf32>
    %dot_general3A_859 = tpu.matmul %dot_general3A_7, %get3A_851, %dot_general3A_858 {dimension_numbers = #tpu.dot_dimension_numbers<[1], [0], [0], [1], [0, 0, 1, 1], [], []>, transpose_lhs_hint = false} : vector<1024x32xf32>, vector<32x128xf32>, vector<1024x128xf32> -> vector<1024x128xf32>
    %reshape3A_860 = vector.shape_cast %dot_general3A_859 : vector<1024x128xf32> to vector<128x8x128xf32>
    %add3A_861 = vector.broadcast %reshape3A_857 : vector<1x8x128xf32> to vector<128x8x128xf32>
    %add3A_862 = arith.addf %reshape3A, %add3A_861 : vector<128x8x128xf32>
    %sub3A_863 = arith.subf %add3A_862, %reshape3A_860 : vector<128x8x128xf32>
    %lt3A_864 = arith.cmpf olt, %sub3A_863, %select_n3A_843 : vector<128x8x128xf32>
    %select_n3A_865 = arith.select %lt3A_864, %sub3A_863, %select_n3A_843 : vector<128x8x128xi1>, vector<128x8x128xf32>
    %broadcast_in_dim3A_866 = vector.broadcast %scan3A_846 : i32 to vector<128x8x128xi32>
    %select_n3A_867 = arith.select %lt3A_864, %broadcast_in_dim3A_866, %select_n3A_845 : vector<128x8x128xi1>, vector<128x8x128xi32>
    %scan3A_868 = arith.constant 39 : i32
    %mul3A_869 = arith.constant 128 : i32
    %mul3A_870 = arith.muli %scan3A_868, %mul3A_869 : i32
    %get3A_871 = arith.constant 0 : index
    %get3A_872 = arith.index_cast %mul3A_870 : i32 to index
    %get3A_873 = vector.load %arg9[%get3A_871, %get3A_872] : memref<32x8192xf32, #tpu.memory_space<vmem>>, vector<32x128xf32>
    %mul3A_874 = arith.constant 128 : i32
    %mul3A_875 = arith.muli %scan3A_868, %mul3A_874 : i32
    %get3A_876 = arith.constant 0 : index
    %get3A_877 = arith.index_cast %mul3A_875 : i32 to index
    %get3A_878 = vector.load %arg10[%get3A_876, %get3A_877] : memref<8x8192xf32, #tpu.memory_space<vmem>>, vector<8x128xf32>
    %reshape3A_879 = vector.shape_cast %get3A_878 : vector<8x128xf32> to vector<1x8x128xf32>
    %dot_general3A_880 = arith.constant dense<0.000000e+00> : vector<1024x128xf32>
    %dot_general3A_881 = tpu.matmul %dot_general3A_7, %get3A_873, %dot_general3A_880 {dimension_numbers = #tpu.dot_dimension_numbers<[1], [0], [0], [1], [0, 0, 1, 1], [], []>, transpose_lhs_hint = false} : vector<1024x32xf32>, vector<32x128xf32>, vector<1024x128xf32> -> vector<1024x128xf32>
    %reshape3A_882 = vector.shape_cast %dot_general3A_881 : vector<1024x128xf32> to vector<128x8x128xf32>
    %add3A_883 = vector.broadcast %reshape3A_879 : vector<1x8x128xf32> to vector<128x8x128xf32>
    %add3A_884 = arith.addf %reshape3A, %add3A_883 : vector<128x8x128xf32>
    %sub3A_885 = arith.subf %add3A_884, %reshape3A_882 : vector<128x8x128xf32>
    %lt3A_886 = arith.cmpf olt, %sub3A_885, %select_n3A_865 : vector<128x8x128xf32>
    %select_n3A_887 = arith.select %lt3A_886, %sub3A_885, %select_n3A_865 : vector<128x8x128xi1>, vector<128x8x128xf32>
    %broadcast_in_dim3A_888 = vector.broadcast %scan3A_868 : i32 to vector<128x8x128xi32>
    %select_n3A_889 = arith.select %lt3A_886, %broadcast_in_dim3A_888, %select_n3A_867 : vector<128x8x128xi1>, vector<128x8x128xi32>
    %scan3A_890 = arith.constant 40 : i32
    %mul3A_891 = arith.constant 128 : i32
    %mul3A_892 = arith.muli %scan3A_890, %mul3A_891 : i32
    %get3A_893 = arith.constant 0 : index
    %get3A_894 = arith.index_cast %mul3A_892 : i32 to index
    %get3A_895 = vector.load %arg9[%get3A_893, %get3A_894] : memref<32x8192xf32, #tpu.memory_space<vmem>>, vector<32x128xf32>
    %mul3A_896 = arith.constant 128 : i32
    %mul3A_897 = arith.muli %scan3A_890, %mul3A_896 : i32
    %get3A_898 = arith.constant 0 : index
    %get3A_899 = arith.index_cast %mul3A_897 : i32 to index
    %get3A_900 = vector.load %arg10[%get3A_898, %get3A_899] : memref<8x8192xf32, #tpu.memory_space<vmem>>, vector<8x128xf32>
    %reshape3A_901 = vector.shape_cast %get3A_900 : vector<8x128xf32> to vector<1x8x128xf32>
    %dot_general3A_902 = arith.constant dense<0.000000e+00> : vector<1024x128xf32>
    %dot_general3A_903 = tpu.matmul %dot_general3A_7, %get3A_895, %dot_general3A_902 {dimension_numbers = #tpu.dot_dimension_numbers<[1], [0], [0], [1], [0, 0, 1, 1], [], []>, transpose_lhs_hint = false} : vector<1024x32xf32>, vector<32x128xf32>, vector<1024x128xf32> -> vector<1024x128xf32>
    %reshape3A_904 = vector.shape_cast %dot_general3A_903 : vector<1024x128xf32> to vector<128x8x128xf32>
    %add3A_905 = vector.broadcast %reshape3A_901 : vector<1x8x128xf32> to vector<128x8x128xf32>
    %add3A_906 = arith.addf %reshape3A, %add3A_905 : vector<128x8x128xf32>
    %sub3A_907 = arith.subf %add3A_906, %reshape3A_904 : vector<128x8x128xf32>
    %lt3A_908 = arith.cmpf olt, %sub3A_907, %select_n3A_887 : vector<128x8x128xf32>
    %select_n3A_909 = arith.select %lt3A_908, %sub3A_907, %select_n3A_887 : vector<128x8x128xi1>, vector<128x8x128xf32>
    %broadcast_in_dim3A_910 = vector.broadcast %scan3A_890 : i32 to vector<128x8x128xi32>
    %select_n3A_911 = arith.select %lt3A_908, %broadcast_in_dim3A_910, %select_n3A_889 : vector<128x8x128xi1>, vector<128x8x128xi32>
    %scan3A_912 = arith.constant 41 : i32
    %mul3A_913 = arith.constant 128 : i32
    %mul3A_914 = arith.muli %scan3A_912, %mul3A_913 : i32
    %get3A_915 = arith.constant 0 : index
    %get3A_916 = arith.index_cast %mul3A_914 : i32 to index
    %get3A_917 = vector.load %arg9[%get3A_915, %get3A_916] : memref<32x8192xf32, #tpu.memory_space<vmem>>, vector<32x128xf32>
    %mul3A_918 = arith.constant 128 : i32
    %mul3A_919 = arith.muli %scan3A_912, %mul3A_918 : i32
    %get3A_920 = arith.constant 0 : index
    %get3A_921 = arith.index_cast %mul3A_919 : i32 to index
    %get3A_922 = vector.load %arg10[%get3A_920, %get3A_921] : memref<8x8192xf32, #tpu.memory_space<vmem>>, vector<8x128xf32>
    %reshape3A_923 = vector.shape_cast %get3A_922 : vector<8x128xf32> to vector<1x8x128xf32>
    %dot_general3A_924 = arith.constant dense<0.000000e+00> : vector<1024x128xf32>
    %dot_general3A_925 = tpu.matmul %dot_general3A_7, %get3A_917, %dot_general3A_924 {dimension_numbers = #tpu.dot_dimension_numbers<[1], [0], [0], [1], [0, 0, 1, 1], [], []>, transpose_lhs_hint = false} : vector<1024x32xf32>, vector<32x128xf32>, vector<1024x128xf32> -> vector<1024x128xf32>
    %reshape3A_926 = vector.shape_cast %dot_general3A_925 : vector<1024x128xf32> to vector<128x8x128xf32>
    %add3A_927 = vector.broadcast %reshape3A_923 : vector<1x8x128xf32> to vector<128x8x128xf32>
    %add3A_928 = arith.addf %reshape3A, %add3A_927 : vector<128x8x128xf32>
    %sub3A_929 = arith.subf %add3A_928, %reshape3A_926 : vector<128x8x128xf32>
    %lt3A_930 = arith.cmpf olt, %sub3A_929, %select_n3A_909 : vector<128x8x128xf32>
    %select_n3A_931 = arith.select %lt3A_930, %sub3A_929, %select_n3A_909 : vector<128x8x128xi1>, vector<128x8x128xf32>
    %broadcast_in_dim3A_932 = vector.broadcast %scan3A_912 : i32 to vector<128x8x128xi32>
    %select_n3A_933 = arith.select %lt3A_930, %broadcast_in_dim3A_932, %select_n3A_911 : vector<128x8x128xi1>, vector<128x8x128xi32>
    %scan3A_934 = arith.constant 42 : i32
    %mul3A_935 = arith.constant 128 : i32
    %mul3A_936 = arith.muli %scan3A_934, %mul3A_935 : i32
    %get3A_937 = arith.constant 0 : index
    %get3A_938 = arith.index_cast %mul3A_936 : i32 to index
    %get3A_939 = vector.load %arg9[%get3A_937, %get3A_938] : memref<32x8192xf32, #tpu.memory_space<vmem>>, vector<32x128xf32>
    %mul3A_940 = arith.constant 128 : i32
    %mul3A_941 = arith.muli %scan3A_934, %mul3A_940 : i32
    %get3A_942 = arith.constant 0 : index
    %get3A_943 = arith.index_cast %mul3A_941 : i32 to index
    %get3A_944 = vector.load %arg10[%get3A_942, %get3A_943] : memref<8x8192xf32, #tpu.memory_space<vmem>>, vector<8x128xf32>
    %reshape3A_945 = vector.shape_cast %get3A_944 : vector<8x128xf32> to vector<1x8x128xf32>
    %dot_general3A_946 = arith.constant dense<0.000000e+00> : vector<1024x128xf32>
    %dot_general3A_947 = tpu.matmul %dot_general3A_7, %get3A_939, %dot_general3A_946 {dimension_numbers = #tpu.dot_dimension_numbers<[1], [0], [0], [1], [0, 0, 1, 1], [], []>, transpose_lhs_hint = false} : vector<1024x32xf32>, vector<32x128xf32>, vector<1024x128xf32> -> vector<1024x128xf32>
    %reshape3A_948 = vector.shape_cast %dot_general3A_947 : vector<1024x128xf32> to vector<128x8x128xf32>
    %add3A_949 = vector.broadcast %reshape3A_945 : vector<1x8x128xf32> to vector<128x8x128xf32>
    %add3A_950 = arith.addf %reshape3A, %add3A_949 : vector<128x8x128xf32>
    %sub3A_951 = arith.subf %add3A_950, %reshape3A_948 : vector<128x8x128xf32>
    %lt3A_952 = arith.cmpf olt, %sub3A_951, %select_n3A_931 : vector<128x8x128xf32>
    %select_n3A_953 = arith.select %lt3A_952, %sub3A_951, %select_n3A_931 : vector<128x8x128xi1>, vector<128x8x128xf32>
    %broadcast_in_dim3A_954 = vector.broadcast %scan3A_934 : i32 to vector<128x8x128xi32>
    %select_n3A_955 = arith.select %lt3A_952, %broadcast_in_dim3A_954, %select_n3A_933 : vector<128x8x128xi1>, vector<128x8x128xi32>
    %scan3A_956 = arith.constant 43 : i32
    %mul3A_957 = arith.constant 128 : i32
    %mul3A_958 = arith.muli %scan3A_956, %mul3A_957 : i32
    %get3A_959 = arith.constant 0 : index
    %get3A_960 = arith.index_cast %mul3A_958 : i32 to index
    %get3A_961 = vector.load %arg9[%get3A_959, %get3A_960] : memref<32x8192xf32, #tpu.memory_space<vmem>>, vector<32x128xf32>
    %mul3A_962 = arith.constant 128 : i32
    %mul3A_963 = arith.muli %scan3A_956, %mul3A_962 : i32
    %get3A_964 = arith.constant 0 : index
    %get3A_965 = arith.index_cast %mul3A_963 : i32 to index
    %get3A_966 = vector.load %arg10[%get3A_964, %get3A_965] : memref<8x8192xf32, #tpu.memory_space<vmem>>, vector<8x128xf32>
    %reshape3A_967 = vector.shape_cast %get3A_966 : vector<8x128xf32> to vector<1x8x128xf32>
    %dot_general3A_968 = arith.constant dense<0.000000e+00> : vector<1024x128xf32>
    %dot_general3A_969 = tpu.matmul %dot_general3A_7, %get3A_961, %dot_general3A_968 {dimension_numbers = #tpu.dot_dimension_numbers<[1], [0], [0], [1], [0, 0, 1, 1], [], []>, transpose_lhs_hint = false} : vector<1024x32xf32>, vector<32x128xf32>, vector<1024x128xf32> -> vector<1024x128xf32>
    %reshape3A_970 = vector.shape_cast %dot_general3A_969 : vector<1024x128xf32> to vector<128x8x128xf32>
    %add3A_971 = vector.broadcast %reshape3A_967 : vector<1x8x128xf32> to vector<128x8x128xf32>
    %add3A_972 = arith.addf %reshape3A, %add3A_971 : vector<128x8x128xf32>
    %sub3A_973 = arith.subf %add3A_972, %reshape3A_970 : vector<128x8x128xf32>
    %lt3A_974 = arith.cmpf olt, %sub3A_973, %select_n3A_953 : vector<128x8x128xf32>
    %select_n3A_975 = arith.select %lt3A_974, %sub3A_973, %select_n3A_953 : vector<128x8x128xi1>, vector<128x8x128xf32>
    %broadcast_in_dim3A_976 = vector.broadcast %scan3A_956 : i32 to vector<128x8x128xi32>
    %select_n3A_977 = arith.select %lt3A_974, %broadcast_in_dim3A_976, %select_n3A_955 : vector<128x8x128xi1>, vector<128x8x128xi32>
    %scan3A_978 = arith.constant 44 : i32
    %mul3A_979 = arith.constant 128 : i32
    %mul3A_980 = arith.muli %scan3A_978, %mul3A_979 : i32
    %get3A_981 = arith.constant 0 : index
    %get3A_982 = arith.index_cast %mul3A_980 : i32 to index
    %get3A_983 = vector.load %arg9[%get3A_981, %get3A_982] : memref<32x8192xf32, #tpu.memory_space<vmem>>, vector<32x128xf32>
    %mul3A_984 = arith.constant 128 : i32
    %mul3A_985 = arith.muli %scan3A_978, %mul3A_984 : i32
    %get3A_986 = arith.constant 0 : index
    %get3A_987 = arith.index_cast %mul3A_985 : i32 to index
    %get3A_988 = vector.load %arg10[%get3A_986, %get3A_987] : memref<8x8192xf32, #tpu.memory_space<vmem>>, vector<8x128xf32>
    %reshape3A_989 = vector.shape_cast %get3A_988 : vector<8x128xf32> to vector<1x8x128xf32>
    %dot_general3A_990 = arith.constant dense<0.000000e+00> : vector<1024x128xf32>
    %dot_general3A_991 = tpu.matmul %dot_general3A_7, %get3A_983, %dot_general3A_990 {dimension_numbers = #tpu.dot_dimension_numbers<[1], [0], [0], [1], [0, 0, 1, 1], [], []>, transpose_lhs_hint = false} : vector<1024x32xf32>, vector<32x128xf32>, vector<1024x128xf32> -> vector<1024x128xf32>
    %reshape3A_992 = vector.shape_cast %dot_general3A_991 : vector<1024x128xf32> to vector<128x8x128xf32>
    %add3A_993 = vector.broadcast %reshape3A_989 : vector<1x8x128xf32> to vector<128x8x128xf32>
    %add3A_994 = arith.addf %reshape3A, %add3A_993 : vector<128x8x128xf32>
    %sub3A_995 = arith.subf %add3A_994, %reshape3A_992 : vector<128x8x128xf32>
    %lt3A_996 = arith.cmpf olt, %sub3A_995, %select_n3A_975 : vector<128x8x128xf32>
    %select_n3A_997 = arith.select %lt3A_996, %sub3A_995, %select_n3A_975 : vector<128x8x128xi1>, vector<128x8x128xf32>
    %broadcast_in_dim3A_998 = vector.broadcast %scan3A_978 : i32 to vector<128x8x128xi32>
    %select_n3A_999 = arith.select %lt3A_996, %broadcast_in_dim3A_998, %select_n3A_977 : vector<128x8x128xi1>, vector<128x8x128xi32>
    %scan3A_1000 = arith.constant 45 : i32
    %mul3A_1001 = arith.constant 128 : i32
    %mul3A_1002 = arith.muli %scan3A_1000, %mul3A_1001 : i32
    %get3A_1003 = arith.constant 0 : index
    %get3A_1004 = arith.index_cast %mul3A_1002 : i32 to index
    %get3A_1005 = vector.load %arg9[%get3A_1003, %get3A_1004] : memref<32x8192xf32, #tpu.memory_space<vmem>>, vector<32x128xf32>
    %mul3A_1006 = arith.constant 128 : i32
    %mul3A_1007 = arith.muli %scan3A_1000, %mul3A_1006 : i32
    %get3A_1008 = arith.constant 0 : index
    %get3A_1009 = arith.index_cast %mul3A_1007 : i32 to index
    %get3A_1010 = vector.load %arg10[%get3A_1008, %get3A_1009] : memref<8x8192xf32, #tpu.memory_space<vmem>>, vector<8x128xf32>
    %reshape3A_1011 = vector.shape_cast %get3A_1010 : vector<8x128xf32> to vector<1x8x128xf32>
    %dot_general3A_1012 = arith.constant dense<0.000000e+00> : vector<1024x128xf32>
    %dot_general3A_1013 = tpu.matmul %dot_general3A_7, %get3A_1005, %dot_general3A_1012 {dimension_numbers = #tpu.dot_dimension_numbers<[1], [0], [0], [1], [0, 0, 1, 1], [], []>, transpose_lhs_hint = false} : vector<1024x32xf32>, vector<32x128xf32>, vector<1024x128xf32> -> vector<1024x128xf32>
    %reshape3A_1014 = vector.shape_cast %dot_general3A_1013 : vector<1024x128xf32> to vector<128x8x128xf32>
    %add3A_1015 = vector.broadcast %reshape3A_1011 : vector<1x8x128xf32> to vector<128x8x128xf32>
    %add3A_1016 = arith.addf %reshape3A, %add3A_1015 : vector<128x8x128xf32>
    %sub3A_1017 = arith.subf %add3A_1016, %reshape3A_1014 : vector<128x8x128xf32>
    %lt3A_1018 = arith.cmpf olt, %sub3A_1017, %select_n3A_997 : vector<128x8x128xf32>
    %select_n3A_1019 = arith.select %lt3A_1018, %sub3A_1017, %select_n3A_997 : vector<128x8x128xi1>, vector<128x8x128xf32>
    %broadcast_in_dim3A_1020 = vector.broadcast %scan3A_1000 : i32 to vector<128x8x128xi32>
    %select_n3A_1021 = arith.select %lt3A_1018, %broadcast_in_dim3A_1020, %select_n3A_999 : vector<128x8x128xi1>, vector<128x8x128xi32>
    %scan3A_1022 = arith.constant 46 : i32
    %mul3A_1023 = arith.constant 128 : i32
    %mul3A_1024 = arith.muli %scan3A_1022, %mul3A_1023 : i32
    %get3A_1025 = arith.constant 0 : index
    %get3A_1026 = arith.index_cast %mul3A_1024 : i32 to index
    %get3A_1027 = vector.load %arg9[%get3A_1025, %get3A_1026] : memref<32x8192xf32, #tpu.memory_space<vmem>>, vector<32x128xf32>
    %mul3A_1028 = arith.constant 128 : i32
    %mul3A_1029 = arith.muli %scan3A_1022, %mul3A_1028 : i32
    %get3A_1030 = arith.constant 0 : index
    %get3A_1031 = arith.index_cast %mul3A_1029 : i32 to index
    %get3A_1032 = vector.load %arg10[%get3A_1030, %get3A_1031] : memref<8x8192xf32, #tpu.memory_space<vmem>>, vector<8x128xf32>
    %reshape3A_1033 = vector.shape_cast %get3A_1032 : vector<8x128xf32> to vector<1x8x128xf32>
    %dot_general3A_1034 = arith.constant dense<0.000000e+00> : vector<1024x128xf32>
    %dot_general3A_1035 = tpu.matmul %dot_general3A_7, %get3A_1027, %dot_general3A_1034 {dimension_numbers = #tpu.dot_dimension_numbers<[1], [0], [0], [1], [0, 0, 1, 1], [], []>, transpose_lhs_hint = false} : vector<1024x32xf32>, vector<32x128xf32>, vector<1024x128xf32> -> vector<1024x128xf32>
    %reshape3A_1036 = vector.shape_cast %dot_general3A_1035 : vector<1024x128xf32> to vector<128x8x128xf32>
    %add3A_1037 = vector.broadcast %reshape3A_1033 : vector<1x8x128xf32> to vector<128x8x128xf32>
    %add3A_1038 = arith.addf %reshape3A, %add3A_1037 : vector<128x8x128xf32>
    %sub3A_1039 = arith.subf %add3A_1038, %reshape3A_1036 : vector<128x8x128xf32>
    %lt3A_1040 = arith.cmpf olt, %sub3A_1039, %select_n3A_1019 : vector<128x8x128xf32>
    %select_n3A_1041 = arith.select %lt3A_1040, %sub3A_1039, %select_n3A_1019 : vector<128x8x128xi1>, vector<128x8x128xf32>
    %broadcast_in_dim3A_1042 = vector.broadcast %scan3A_1022 : i32 to vector<128x8x128xi32>
    %select_n3A_1043 = arith.select %lt3A_1040, %broadcast_in_dim3A_1042, %select_n3A_1021 : vector<128x8x128xi1>, vector<128x8x128xi32>
    %scan3A_1044 = arith.constant 47 : i32
    %mul3A_1045 = arith.constant 128 : i32
    %mul3A_1046 = arith.muli %scan3A_1044, %mul3A_1045 : i32
    %get3A_1047 = arith.constant 0 : index
    %get3A_1048 = arith.index_cast %mul3A_1046 : i32 to index
    %get3A_1049 = vector.load %arg9[%get3A_1047, %get3A_1048] : memref<32x8192xf32, #tpu.memory_space<vmem>>, vector<32x128xf32>
    %mul3A_1050 = arith.constant 128 : i32
    %mul3A_1051 = arith.muli %scan3A_1044, %mul3A_1050 : i32
    %get3A_1052 = arith.constant 0 : index
    %get3A_1053 = arith.index_cast %mul3A_1051 : i32 to index
    %get3A_1054 = vector.load %arg10[%get3A_1052, %get3A_1053] : memref<8x8192xf32, #tpu.memory_space<vmem>>, vector<8x128xf32>
    %reshape3A_1055 = vector.shape_cast %get3A_1054 : vector<8x128xf32> to vector<1x8x128xf32>
    %dot_general3A_1056 = arith.constant dense<0.000000e+00> : vector<1024x128xf32>
    %dot_general3A_1057 = tpu.matmul %dot_general3A_7, %get3A_1049, %dot_general3A_1056 {dimension_numbers = #tpu.dot_dimension_numbers<[1], [0], [0], [1], [0, 0, 1, 1], [], []>, transpose_lhs_hint = false} : vector<1024x32xf32>, vector<32x128xf32>, vector<1024x128xf32> -> vector<1024x128xf32>
    %reshape3A_1058 = vector.shape_cast %dot_general3A_1057 : vector<1024x128xf32> to vector<128x8x128xf32>
    %add3A_1059 = vector.broadcast %reshape3A_1055 : vector<1x8x128xf32> to vector<128x8x128xf32>
    %add3A_1060 = arith.addf %reshape3A, %add3A_1059 : vector<128x8x128xf32>
    %sub3A_1061 = arith.subf %add3A_1060, %reshape3A_1058 : vector<128x8x128xf32>
    %lt3A_1062 = arith.cmpf olt, %sub3A_1061, %select_n3A_1041 : vector<128x8x128xf32>
    %select_n3A_1063 = arith.select %lt3A_1062, %sub3A_1061, %select_n3A_1041 : vector<128x8x128xi1>, vector<128x8x128xf32>
    %broadcast_in_dim3A_1064 = vector.broadcast %scan3A_1044 : i32 to vector<128x8x128xi32>
    %select_n3A_1065 = arith.select %lt3A_1062, %broadcast_in_dim3A_1064, %select_n3A_1043 : vector<128x8x128xi1>, vector<128x8x128xi32>
    %scan3A_1066 = arith.constant 48 : i32
    %mul3A_1067 = arith.constant 128 : i32
    %mul3A_1068 = arith.muli %scan3A_1066, %mul3A_1067 : i32
    %get3A_1069 = arith.constant 0 : index
    %get3A_1070 = arith.index_cast %mul3A_1068 : i32 to index
    %get3A_1071 = vector.load %arg9[%get3A_1069, %get3A_1070] : memref<32x8192xf32, #tpu.memory_space<vmem>>, vector<32x128xf32>
    %mul3A_1072 = arith.constant 128 : i32
    %mul3A_1073 = arith.muli %scan3A_1066, %mul3A_1072 : i32
    %get3A_1074 = arith.constant 0 : index
    %get3A_1075 = arith.index_cast %mul3A_1073 : i32 to index
    %get3A_1076 = vector.load %arg10[%get3A_1074, %get3A_1075] : memref<8x8192xf32, #tpu.memory_space<vmem>>, vector<8x128xf32>
    %reshape3A_1077 = vector.shape_cast %get3A_1076 : vector<8x128xf32> to vector<1x8x128xf32>
    %dot_general3A_1078 = arith.constant dense<0.000000e+00> : vector<1024x128xf32>
    %dot_general3A_1079 = tpu.matmul %dot_general3A_7, %get3A_1071, %dot_general3A_1078 {dimension_numbers = #tpu.dot_dimension_numbers<[1], [0], [0], [1], [0, 0, 1, 1], [], []>, transpose_lhs_hint = false} : vector<1024x32xf32>, vector<32x128xf32>, vector<1024x128xf32> -> vector<1024x128xf32>
    %reshape3A_1080 = vector.shape_cast %dot_general3A_1079 : vector<1024x128xf32> to vector<128x8x128xf32>
    %add3A_1081 = vector.broadcast %reshape3A_1077 : vector<1x8x128xf32> to vector<128x8x128xf32>
    %add3A_1082 = arith.addf %reshape3A, %add3A_1081 : vector<128x8x128xf32>
    %sub3A_1083 = arith.subf %add3A_1082, %reshape3A_1080 : vector<128x8x128xf32>
    %lt3A_1084 = arith.cmpf olt, %sub3A_1083, %select_n3A_1063 : vector<128x8x128xf32>
    %select_n3A_1085 = arith.select %lt3A_1084, %sub3A_1083, %select_n3A_1063 : vector<128x8x128xi1>, vector<128x8x128xf32>
    %broadcast_in_dim3A_1086 = vector.broadcast %scan3A_1066 : i32 to vector<128x8x128xi32>
    %select_n3A_1087 = arith.select %lt3A_1084, %broadcast_in_dim3A_1086, %select_n3A_1065 : vector<128x8x128xi1>, vector<128x8x128xi32>
    %scan3A_1088 = arith.constant 49 : i32
    %mul3A_1089 = arith.constant 128 : i32
    %mul3A_1090 = arith.muli %scan3A_1088, %mul3A_1089 : i32
    %get3A_1091 = arith.constant 0 : index
    %get3A_1092 = arith.index_cast %mul3A_1090 : i32 to index
    %get3A_1093 = vector.load %arg9[%get3A_1091, %get3A_1092] : memref<32x8192xf32, #tpu.memory_space<vmem>>, vector<32x128xf32>
    %mul3A_1094 = arith.constant 128 : i32
    %mul3A_1095 = arith.muli %scan3A_1088, %mul3A_1094 : i32
    %get3A_1096 = arith.constant 0 : index
    %get3A_1097 = arith.index_cast %mul3A_1095 : i32 to index
    %get3A_1098 = vector.load %arg10[%get3A_1096, %get3A_1097] : memref<8x8192xf32, #tpu.memory_space<vmem>>, vector<8x128xf32>
    %reshape3A_1099 = vector.shape_cast %get3A_1098 : vector<8x128xf32> to vector<1x8x128xf32>
    %dot_general3A_1100 = arith.constant dense<0.000000e+00> : vector<1024x128xf32>
    %dot_general3A_1101 = tpu.matmul %dot_general3A_7, %get3A_1093, %dot_general3A_1100 {dimension_numbers = #tpu.dot_dimension_numbers<[1], [0], [0], [1], [0, 0, 1, 1], [], []>, transpose_lhs_hint = false} : vector<1024x32xf32>, vector<32x128xf32>, vector<1024x128xf32> -> vector<1024x128xf32>
    %reshape3A_1102 = vector.shape_cast %dot_general3A_1101 : vector<1024x128xf32> to vector<128x8x128xf32>
    %add3A_1103 = vector.broadcast %reshape3A_1099 : vector<1x8x128xf32> to vector<128x8x128xf32>
    %add3A_1104 = arith.addf %reshape3A, %add3A_1103 : vector<128x8x128xf32>
    %sub3A_1105 = arith.subf %add3A_1104, %reshape3A_1102 : vector<128x8x128xf32>
    %lt3A_1106 = arith.cmpf olt, %sub3A_1105, %select_n3A_1085 : vector<128x8x128xf32>
    %select_n3A_1107 = arith.select %lt3A_1106, %sub3A_1105, %select_n3A_1085 : vector<128x8x128xi1>, vector<128x8x128xf32>
    %broadcast_in_dim3A_1108 = vector.broadcast %scan3A_1088 : i32 to vector<128x8x128xi32>
    %select_n3A_1109 = arith.select %lt3A_1106, %broadcast_in_dim3A_1108, %select_n3A_1087 : vector<128x8x128xi1>, vector<128x8x128xi32>
    %scan3A_1110 = arith.constant 50 : i32
    %mul3A_1111 = arith.constant 128 : i32
    %mul3A_1112 = arith.muli %scan3A_1110, %mul3A_1111 : i32
    %get3A_1113 = arith.constant 0 : index
    %get3A_1114 = arith.index_cast %mul3A_1112 : i32 to index
    %get3A_1115 = vector.load %arg9[%get3A_1113, %get3A_1114] : memref<32x8192xf32, #tpu.memory_space<vmem>>, vector<32x128xf32>
    %mul3A_1116 = arith.constant 128 : i32
    %mul3A_1117 = arith.muli %scan3A_1110, %mul3A_1116 : i32
    %get3A_1118 = arith.constant 0 : index
    %get3A_1119 = arith.index_cast %mul3A_1117 : i32 to index
    %get3A_1120 = vector.load %arg10[%get3A_1118, %get3A_1119] : memref<8x8192xf32, #tpu.memory_space<vmem>>, vector<8x128xf32>
    %reshape3A_1121 = vector.shape_cast %get3A_1120 : vector<8x128xf32> to vector<1x8x128xf32>
    %dot_general3A_1122 = arith.constant dense<0.000000e+00> : vector<1024x128xf32>
    %dot_general3A_1123 = tpu.matmul %dot_general3A_7, %get3A_1115, %dot_general3A_1122 {dimension_numbers = #tpu.dot_dimension_numbers<[1], [0], [0], [1], [0, 0, 1, 1], [], []>, transpose_lhs_hint = false} : vector<1024x32xf32>, vector<32x128xf32>, vector<1024x128xf32> -> vector<1024x128xf32>
    %reshape3A_1124 = vector.shape_cast %dot_general3A_1123 : vector<1024x128xf32> to vector<128x8x128xf32>
    %add3A_1125 = vector.broadcast %reshape3A_1121 : vector<1x8x128xf32> to vector<128x8x128xf32>
    %add3A_1126 = arith.addf %reshape3A, %add3A_1125 : vector<128x8x128xf32>
    %sub3A_1127 = arith.subf %add3A_1126, %reshape3A_1124 : vector<128x8x128xf32>
    %lt3A_1128 = arith.cmpf olt, %sub3A_1127, %select_n3A_1107 : vector<128x8x128xf32>
    %select_n3A_1129 = arith.select %lt3A_1128, %sub3A_1127, %select_n3A_1107 : vector<128x8x128xi1>, vector<128x8x128xf32>
    %broadcast_in_dim3A_1130 = vector.broadcast %scan3A_1110 : i32 to vector<128x8x128xi32>
    %select_n3A_1131 = arith.select %lt3A_1128, %broadcast_in_dim3A_1130, %select_n3A_1109 : vector<128x8x128xi1>, vector<128x8x128xi32>
    %scan3A_1132 = arith.constant 51 : i32
    %mul3A_1133 = arith.constant 128 : i32
    %mul3A_1134 = arith.muli %scan3A_1132, %mul3A_1133 : i32
    %get3A_1135 = arith.constant 0 : index
    %get3A_1136 = arith.index_cast %mul3A_1134 : i32 to index
    %get3A_1137 = vector.load %arg9[%get3A_1135, %get3A_1136] : memref<32x8192xf32, #tpu.memory_space<vmem>>, vector<32x128xf32>
    %mul3A_1138 = arith.constant 128 : i32
    %mul3A_1139 = arith.muli %scan3A_1132, %mul3A_1138 : i32
    %get3A_1140 = arith.constant 0 : index
    %get3A_1141 = arith.index_cast %mul3A_1139 : i32 to index
    %get3A_1142 = vector.load %arg10[%get3A_1140, %get3A_1141] : memref<8x8192xf32, #tpu.memory_space<vmem>>, vector<8x128xf32>
    %reshape3A_1143 = vector.shape_cast %get3A_1142 : vector<8x128xf32> to vector<1x8x128xf32>
    %dot_general3A_1144 = arith.constant dense<0.000000e+00> : vector<1024x128xf32>
    %dot_general3A_1145 = tpu.matmul %dot_general3A_7, %get3A_1137, %dot_general3A_1144 {dimension_numbers = #tpu.dot_dimension_numbers<[1], [0], [0], [1], [0, 0, 1, 1], [], []>, transpose_lhs_hint = false} : vector<1024x32xf32>, vector<32x128xf32>, vector<1024x128xf32> -> vector<1024x128xf32>
    %reshape3A_1146 = vector.shape_cast %dot_general3A_1145 : vector<1024x128xf32> to vector<128x8x128xf32>
    %add3A_1147 = vector.broadcast %reshape3A_1143 : vector<1x8x128xf32> to vector<128x8x128xf32>
    %add3A_1148 = arith.addf %reshape3A, %add3A_1147 : vector<128x8x128xf32>
    %sub3A_1149 = arith.subf %add3A_1148, %reshape3A_1146 : vector<128x8x128xf32>
    %lt3A_1150 = arith.cmpf olt, %sub3A_1149, %select_n3A_1129 : vector<128x8x128xf32>
    %select_n3A_1151 = arith.select %lt3A_1150, %sub3A_1149, %select_n3A_1129 : vector<128x8x128xi1>, vector<128x8x128xf32>
    %broadcast_in_dim3A_1152 = vector.broadcast %scan3A_1132 : i32 to vector<128x8x128xi32>
    %select_n3A_1153 = arith.select %lt3A_1150, %broadcast_in_dim3A_1152, %select_n3A_1131 : vector<128x8x128xi1>, vector<128x8x128xi32>
    %scan3A_1154 = arith.constant 52 : i32
    %mul3A_1155 = arith.constant 128 : i32
    %mul3A_1156 = arith.muli %scan3A_1154, %mul3A_1155 : i32
    %get3A_1157 = arith.constant 0 : index
    %get3A_1158 = arith.index_cast %mul3A_1156 : i32 to index
    %get3A_1159 = vector.load %arg9[%get3A_1157, %get3A_1158] : memref<32x8192xf32, #tpu.memory_space<vmem>>, vector<32x128xf32>
    %mul3A_1160 = arith.constant 128 : i32
    %mul3A_1161 = arith.muli %scan3A_1154, %mul3A_1160 : i32
    %get3A_1162 = arith.constant 0 : index
    %get3A_1163 = arith.index_cast %mul3A_1161 : i32 to index
    %get3A_1164 = vector.load %arg10[%get3A_1162, %get3A_1163] : memref<8x8192xf32, #tpu.memory_space<vmem>>, vector<8x128xf32>
    %reshape3A_1165 = vector.shape_cast %get3A_1164 : vector<8x128xf32> to vector<1x8x128xf32>
    %dot_general3A_1166 = arith.constant dense<0.000000e+00> : vector<1024x128xf32>
    %dot_general3A_1167 = tpu.matmul %dot_general3A_7, %get3A_1159, %dot_general3A_1166 {dimension_numbers = #tpu.dot_dimension_numbers<[1], [0], [0], [1], [0, 0, 1, 1], [], []>, transpose_lhs_hint = false} : vector<1024x32xf32>, vector<32x128xf32>, vector<1024x128xf32> -> vector<1024x128xf32>
    %reshape3A_1168 = vector.shape_cast %dot_general3A_1167 : vector<1024x128xf32> to vector<128x8x128xf32>
    %add3A_1169 = vector.broadcast %reshape3A_1165 : vector<1x8x128xf32> to vector<128x8x128xf32>
    %add3A_1170 = arith.addf %reshape3A, %add3A_1169 : vector<128x8x128xf32>
    %sub3A_1171 = arith.subf %add3A_1170, %reshape3A_1168 : vector<128x8x128xf32>
    %lt3A_1172 = arith.cmpf olt, %sub3A_1171, %select_n3A_1151 : vector<128x8x128xf32>
    %select_n3A_1173 = arith.select %lt3A_1172, %sub3A_1171, %select_n3A_1151 : vector<128x8x128xi1>, vector<128x8x128xf32>
    %broadcast_in_dim3A_1174 = vector.broadcast %scan3A_1154 : i32 to vector<128x8x128xi32>
    %select_n3A_1175 = arith.select %lt3A_1172, %broadcast_in_dim3A_1174, %select_n3A_1153 : vector<128x8x128xi1>, vector<128x8x128xi32>
    %scan3A_1176 = arith.constant 53 : i32
    %mul3A_1177 = arith.constant 128 : i32
    %mul3A_1178 = arith.muli %scan3A_1176, %mul3A_1177 : i32
    %get3A_1179 = arith.constant 0 : index
    %get3A_1180 = arith.index_cast %mul3A_1178 : i32 to index
    %get3A_1181 = vector.load %arg9[%get3A_1179, %get3A_1180] : memref<32x8192xf32, #tpu.memory_space<vmem>>, vector<32x128xf32>
    %mul3A_1182 = arith.constant 128 : i32
    %mul3A_1183 = arith.muli %scan3A_1176, %mul3A_1182 : i32
    %get3A_1184 = arith.constant 0 : index
    %get3A_1185 = arith.index_cast %mul3A_1183 : i32 to index
    %get3A_1186 = vector.load %arg10[%get3A_1184, %get3A_1185] : memref<8x8192xf32, #tpu.memory_space<vmem>>, vector<8x128xf32>
    %reshape3A_1187 = vector.shape_cast %get3A_1186 : vector<8x128xf32> to vector<1x8x128xf32>
    %dot_general3A_1188 = arith.constant dense<0.000000e+00> : vector<1024x128xf32>
    %dot_general3A_1189 = tpu.matmul %dot_general3A_7, %get3A_1181, %dot_general3A_1188 {dimension_numbers = #tpu.dot_dimension_numbers<[1], [0], [0], [1], [0, 0, 1, 1], [], []>, transpose_lhs_hint = false} : vector<1024x32xf32>, vector<32x128xf32>, vector<1024x128xf32> -> vector<1024x128xf32>
    %reshape3A_1190 = vector.shape_cast %dot_general3A_1189 : vector<1024x128xf32> to vector<128x8x128xf32>
    %add3A_1191 = vector.broadcast %reshape3A_1187 : vector<1x8x128xf32> to vector<128x8x128xf32>
    %add3A_1192 = arith.addf %reshape3A, %add3A_1191 : vector<128x8x128xf32>
    %sub3A_1193 = arith.subf %add3A_1192, %reshape3A_1190 : vector<128x8x128xf32>
    %lt3A_1194 = arith.cmpf olt, %sub3A_1193, %select_n3A_1173 : vector<128x8x128xf32>
    %select_n3A_1195 = arith.select %lt3A_1194, %sub3A_1193, %select_n3A_1173 : vector<128x8x128xi1>, vector<128x8x128xf32>
    %broadcast_in_dim3A_1196 = vector.broadcast %scan3A_1176 : i32 to vector<128x8x128xi32>
    %select_n3A_1197 = arith.select %lt3A_1194, %broadcast_in_dim3A_1196, %select_n3A_1175 : vector<128x8x128xi1>, vector<128x8x128xi32>
    %scan3A_1198 = arith.constant 54 : i32
    %mul3A_1199 = arith.constant 128 : i32
    %mul3A_1200 = arith.muli %scan3A_1198, %mul3A_1199 : i32
    %get3A_1201 = arith.constant 0 : index
    %get3A_1202 = arith.index_cast %mul3A_1200 : i32 to index
    %get3A_1203 = vector.load %arg9[%get3A_1201, %get3A_1202] : memref<32x8192xf32, #tpu.memory_space<vmem>>, vector<32x128xf32>
    %mul3A_1204 = arith.constant 128 : i32
    %mul3A_1205 = arith.muli %scan3A_1198, %mul3A_1204 : i32
    %get3A_1206 = arith.constant 0 : index
    %get3A_1207 = arith.index_cast %mul3A_1205 : i32 to index
    %get3A_1208 = vector.load %arg10[%get3A_1206, %get3A_1207] : memref<8x8192xf32, #tpu.memory_space<vmem>>, vector<8x128xf32>
    %reshape3A_1209 = vector.shape_cast %get3A_1208 : vector<8x128xf32> to vector<1x8x128xf32>
    %dot_general3A_1210 = arith.constant dense<0.000000e+00> : vector<1024x128xf32>
    %dot_general3A_1211 = tpu.matmul %dot_general3A_7, %get3A_1203, %dot_general3A_1210 {dimension_numbers = #tpu.dot_dimension_numbers<[1], [0], [0], [1], [0, 0, 1, 1], [], []>, transpose_lhs_hint = false} : vector<1024x32xf32>, vector<32x128xf32>, vector<1024x128xf32> -> vector<1024x128xf32>
    %reshape3A_1212 = vector.shape_cast %dot_general3A_1211 : vector<1024x128xf32> to vector<128x8x128xf32>
    %add3A_1213 = vector.broadcast %reshape3A_1209 : vector<1x8x128xf32> to vector<128x8x128xf32>
    %add3A_1214 = arith.addf %reshape3A, %add3A_1213 : vector<128x8x128xf32>
    %sub3A_1215 = arith.subf %add3A_1214, %reshape3A_1212 : vector<128x8x128xf32>
    %lt3A_1216 = arith.cmpf olt, %sub3A_1215, %select_n3A_1195 : vector<128x8x128xf32>
    %select_n3A_1217 = arith.select %lt3A_1216, %sub3A_1215, %select_n3A_1195 : vector<128x8x128xi1>, vector<128x8x128xf32>
    %broadcast_in_dim3A_1218 = vector.broadcast %scan3A_1198 : i32 to vector<128x8x128xi32>
    %select_n3A_1219 = arith.select %lt3A_1216, %broadcast_in_dim3A_1218, %select_n3A_1197 : vector<128x8x128xi1>, vector<128x8x128xi32>
    %scan3A_1220 = arith.constant 55 : i32
    %mul3A_1221 = arith.constant 128 : i32
    %mul3A_1222 = arith.muli %scan3A_1220, %mul3A_1221 : i32
    %get3A_1223 = arith.constant 0 : index
    %get3A_1224 = arith.index_cast %mul3A_1222 : i32 to index
    %get3A_1225 = vector.load %arg9[%get3A_1223, %get3A_1224] : memref<32x8192xf32, #tpu.memory_space<vmem>>, vector<32x128xf32>
    %mul3A_1226 = arith.constant 128 : i32
    %mul3A_1227 = arith.muli %scan3A_1220, %mul3A_1226 : i32
    %get3A_1228 = arith.constant 0 : index
    %get3A_1229 = arith.index_cast %mul3A_1227 : i32 to index
    %get3A_1230 = vector.load %arg10[%get3A_1228, %get3A_1229] : memref<8x8192xf32, #tpu.memory_space<vmem>>, vector<8x128xf32>
    %reshape3A_1231 = vector.shape_cast %get3A_1230 : vector<8x128xf32> to vector<1x8x128xf32>
    %dot_general3A_1232 = arith.constant dense<0.000000e+00> : vector<1024x128xf32>
    %dot_general3A_1233 = tpu.matmul %dot_general3A_7, %get3A_1225, %dot_general3A_1232 {dimension_numbers = #tpu.dot_dimension_numbers<[1], [0], [0], [1], [0, 0, 1, 1], [], []>, transpose_lhs_hint = false} : vector<1024x32xf32>, vector<32x128xf32>, vector<1024x128xf32> -> vector<1024x128xf32>
    %reshape3A_1234 = vector.shape_cast %dot_general3A_1233 : vector<1024x128xf32> to vector<128x8x128xf32>
    %add3A_1235 = vector.broadcast %reshape3A_1231 : vector<1x8x128xf32> to vector<128x8x128xf32>
    %add3A_1236 = arith.addf %reshape3A, %add3A_1235 : vector<128x8x128xf32>
    %sub3A_1237 = arith.subf %add3A_1236, %reshape3A_1234 : vector<128x8x128xf32>
    %lt3A_1238 = arith.cmpf olt, %sub3A_1237, %select_n3A_1217 : vector<128x8x128xf32>
    %select_n3A_1239 = arith.select %lt3A_1238, %sub3A_1237, %select_n3A_1217 : vector<128x8x128xi1>, vector<128x8x128xf32>
    %broadcast_in_dim3A_1240 = vector.broadcast %scan3A_1220 : i32 to vector<128x8x128xi32>
    %select_n3A_1241 = arith.select %lt3A_1238, %broadcast_in_dim3A_1240, %select_n3A_1219 : vector<128x8x128xi1>, vector<128x8x128xi32>
    %scan3A_1242 = arith.constant 56 : i32
    %mul3A_1243 = arith.constant 128 : i32
    %mul3A_1244 = arith.muli %scan3A_1242, %mul3A_1243 : i32
    %get3A_1245 = arith.constant 0 : index
    %get3A_1246 = arith.index_cast %mul3A_1244 : i32 to index
    %get3A_1247 = vector.load %arg9[%get3A_1245, %get3A_1246] : memref<32x8192xf32, #tpu.memory_space<vmem>>, vector<32x128xf32>
    %mul3A_1248 = arith.constant 128 : i32
    %mul3A_1249 = arith.muli %scan3A_1242, %mul3A_1248 : i32
    %get3A_1250 = arith.constant 0 : index
    %get3A_1251 = arith.index_cast %mul3A_1249 : i32 to index
    %get3A_1252 = vector.load %arg10[%get3A_1250, %get3A_1251] : memref<8x8192xf32, #tpu.memory_space<vmem>>, vector<8x128xf32>
    %reshape3A_1253 = vector.shape_cast %get3A_1252 : vector<8x128xf32> to vector<1x8x128xf32>
    %dot_general3A_1254 = arith.constant dense<0.000000e+00> : vector<1024x128xf32>
    %dot_general3A_1255 = tpu.matmul %dot_general3A_7, %get3A_1247, %dot_general3A_1254 {dimension_numbers = #tpu.dot_dimension_numbers<[1], [0], [0], [1], [0, 0, 1, 1], [], []>, transpose_lhs_hint = false} : vector<1024x32xf32>, vector<32x128xf32>, vector<1024x128xf32> -> vector<1024x128xf32>
    %reshape3A_1256 = vector.shape_cast %dot_general3A_1255 : vector<1024x128xf32> to vector<128x8x128xf32>
    %add3A_1257 = vector.broadcast %reshape3A_1253 : vector<1x8x128xf32> to vector<128x8x128xf32>
    %add3A_1258 = arith.addf %reshape3A, %add3A_1257 : vector<128x8x128xf32>
    %sub3A_1259 = arith.subf %add3A_1258, %reshape3A_1256 : vector<128x8x128xf32>
    %lt3A_1260 = arith.cmpf olt, %sub3A_1259, %select_n3A_1239 : vector<128x8x128xf32>
    %select_n3A_1261 = arith.select %lt3A_1260, %sub3A_1259, %select_n3A_1239 : vector<128x8x128xi1>, vector<128x8x128xf32>
    %broadcast_in_dim3A_1262 = vector.broadcast %scan3A_1242 : i32 to vector<128x8x128xi32>
    %select_n3A_1263 = arith.select %lt3A_1260, %broadcast_in_dim3A_1262, %select_n3A_1241 : vector<128x8x128xi1>, vector<128x8x128xi32>
    %scan3A_1264 = arith.constant 57 : i32
    %mul3A_1265 = arith.constant 128 : i32
    %mul3A_1266 = arith.muli %scan3A_1264, %mul3A_1265 : i32
    %get3A_1267 = arith.constant 0 : index
    %get3A_1268 = arith.index_cast %mul3A_1266 : i32 to index
    %get3A_1269 = vector.load %arg9[%get3A_1267, %get3A_1268] : memref<32x8192xf32, #tpu.memory_space<vmem>>, vector<32x128xf32>
    %mul3A_1270 = arith.constant 128 : i32
    %mul3A_1271 = arith.muli %scan3A_1264, %mul3A_1270 : i32
    %get3A_1272 = arith.constant 0 : index
    %get3A_1273 = arith.index_cast %mul3A_1271 : i32 to index
    %get3A_1274 = vector.load %arg10[%get3A_1272, %get3A_1273] : memref<8x8192xf32, #tpu.memory_space<vmem>>, vector<8x128xf32>
    %reshape3A_1275 = vector.shape_cast %get3A_1274 : vector<8x128xf32> to vector<1x8x128xf32>
    %dot_general3A_1276 = arith.constant dense<0.000000e+00> : vector<1024x128xf32>
    %dot_general3A_1277 = tpu.matmul %dot_general3A_7, %get3A_1269, %dot_general3A_1276 {dimension_numbers = #tpu.dot_dimension_numbers<[1], [0], [0], [1], [0, 0, 1, 1], [], []>, transpose_lhs_hint = false} : vector<1024x32xf32>, vector<32x128xf32>, vector<1024x128xf32> -> vector<1024x128xf32>
    %reshape3A_1278 = vector.shape_cast %dot_general3A_1277 : vector<1024x128xf32> to vector<128x8x128xf32>
    %add3A_1279 = vector.broadcast %reshape3A_1275 : vector<1x8x128xf32> to vector<128x8x128xf32>
    %add3A_1280 = arith.addf %reshape3A, %add3A_1279 : vector<128x8x128xf32>
    %sub3A_1281 = arith.subf %add3A_1280, %reshape3A_1278 : vector<128x8x128xf32>
    %lt3A_1282 = arith.cmpf olt, %sub3A_1281, %select_n3A_1261 : vector<128x8x128xf32>
    %select_n3A_1283 = arith.select %lt3A_1282, %sub3A_1281, %select_n3A_1261 : vector<128x8x128xi1>, vector<128x8x128xf32>
    %broadcast_in_dim3A_1284 = vector.broadcast %scan3A_1264 : i32 to vector<128x8x128xi32>
    %select_n3A_1285 = arith.select %lt3A_1282, %broadcast_in_dim3A_1284, %select_n3A_1263 : vector<128x8x128xi1>, vector<128x8x128xi32>
    %scan3A_1286 = arith.constant 58 : i32
    %mul3A_1287 = arith.constant 128 : i32
    %mul3A_1288 = arith.muli %scan3A_1286, %mul3A_1287 : i32
    %get3A_1289 = arith.constant 0 : index
    %get3A_1290 = arith.index_cast %mul3A_1288 : i32 to index
    %get3A_1291 = vector.load %arg9[%get3A_1289, %get3A_1290] : memref<32x8192xf32, #tpu.memory_space<vmem>>, vector<32x128xf32>
    %mul3A_1292 = arith.constant 128 : i32
    %mul3A_1293 = arith.muli %scan3A_1286, %mul3A_1292 : i32
    %get3A_1294 = arith.constant 0 : index
    %get3A_1295 = arith.index_cast %mul3A_1293 : i32 to index
    %get3A_1296 = vector.load %arg10[%get3A_1294, %get3A_1295] : memref<8x8192xf32, #tpu.memory_space<vmem>>, vector<8x128xf32>
    %reshape3A_1297 = vector.shape_cast %get3A_1296 : vector<8x128xf32> to vector<1x8x128xf32>
    %dot_general3A_1298 = arith.constant dense<0.000000e+00> : vector<1024x128xf32>
    %dot_general3A_1299 = tpu.matmul %dot_general3A_7, %get3A_1291, %dot_general3A_1298 {dimension_numbers = #tpu.dot_dimension_numbers<[1], [0], [0], [1], [0, 0, 1, 1], [], []>, transpose_lhs_hint = false} : vector<1024x32xf32>, vector<32x128xf32>, vector<1024x128xf32> -> vector<1024x128xf32>
    %reshape3A_1300 = vector.shape_cast %dot_general3A_1299 : vector<1024x128xf32> to vector<128x8x128xf32>
    %add3A_1301 = vector.broadcast %reshape3A_1297 : vector<1x8x128xf32> to vector<128x8x128xf32>
    %add3A_1302 = arith.addf %reshape3A, %add3A_1301 : vector<128x8x128xf32>
    %sub3A_1303 = arith.subf %add3A_1302, %reshape3A_1300 : vector<128x8x128xf32>
    %lt3A_1304 = arith.cmpf olt, %sub3A_1303, %select_n3A_1283 : vector<128x8x128xf32>
    %select_n3A_1305 = arith.select %lt3A_1304, %sub3A_1303, %select_n3A_1283 : vector<128x8x128xi1>, vector<128x8x128xf32>
    %broadcast_in_dim3A_1306 = vector.broadcast %scan3A_1286 : i32 to vector<128x8x128xi32>
    %select_n3A_1307 = arith.select %lt3A_1304, %broadcast_in_dim3A_1306, %select_n3A_1285 : vector<128x8x128xi1>, vector<128x8x128xi32>
    %scan3A_1308 = arith.constant 59 : i32
    %mul3A_1309 = arith.constant 128 : i32
    %mul3A_1310 = arith.muli %scan3A_1308, %mul3A_1309 : i32
    %get3A_1311 = arith.constant 0 : index
    %get3A_1312 = arith.index_cast %mul3A_1310 : i32 to index
    %get3A_1313 = vector.load %arg9[%get3A_1311, %get3A_1312] : memref<32x8192xf32, #tpu.memory_space<vmem>>, vector<32x128xf32>
    %mul3A_1314 = arith.constant 128 : i32
    %mul3A_1315 = arith.muli %scan3A_1308, %mul3A_1314 : i32
    %get3A_1316 = arith.constant 0 : index
    %get3A_1317 = arith.index_cast %mul3A_1315 : i32 to index
    %get3A_1318 = vector.load %arg10[%get3A_1316, %get3A_1317] : memref<8x8192xf32, #tpu.memory_space<vmem>>, vector<8x128xf32>
    %reshape3A_1319 = vector.shape_cast %get3A_1318 : vector<8x128xf32> to vector<1x8x128xf32>
    %dot_general3A_1320 = arith.constant dense<0.000000e+00> : vector<1024x128xf32>
    %dot_general3A_1321 = tpu.matmul %dot_general3A_7, %get3A_1313, %dot_general3A_1320 {dimension_numbers = #tpu.dot_dimension_numbers<[1], [0], [0], [1], [0, 0, 1, 1], [], []>, transpose_lhs_hint = false} : vector<1024x32xf32>, vector<32x128xf32>, vector<1024x128xf32> -> vector<1024x128xf32>
    %reshape3A_1322 = vector.shape_cast %dot_general3A_1321 : vector<1024x128xf32> to vector<128x8x128xf32>
    %add3A_1323 = vector.broadcast %reshape3A_1319 : vector<1x8x128xf32> to vector<128x8x128xf32>
    %add3A_1324 = arith.addf %reshape3A, %add3A_1323 : vector<128x8x128xf32>
    %sub3A_1325 = arith.subf %add3A_1324, %reshape3A_1322 : vector<128x8x128xf32>
    %lt3A_1326 = arith.cmpf olt, %sub3A_1325, %select_n3A_1305 : vector<128x8x128xf32>
    %select_n3A_1327 = arith.select %lt3A_1326, %sub3A_1325, %select_n3A_1305 : vector<128x8x128xi1>, vector<128x8x128xf32>
    %broadcast_in_dim3A_1328 = vector.broadcast %scan3A_1308 : i32 to vector<128x8x128xi32>
    %select_n3A_1329 = arith.select %lt3A_1326, %broadcast_in_dim3A_1328, %select_n3A_1307 : vector<128x8x128xi1>, vector<128x8x128xi32>
    %scan3A_1330 = arith.constant 60 : i32
    %mul3A_1331 = arith.constant 128 : i32
    %mul3A_1332 = arith.muli %scan3A_1330, %mul3A_1331 : i32
    %get3A_1333 = arith.constant 0 : index
    %get3A_1334 = arith.index_cast %mul3A_1332 : i32 to index
    %get3A_1335 = vector.load %arg9[%get3A_1333, %get3A_1334] : memref<32x8192xf32, #tpu.memory_space<vmem>>, vector<32x128xf32>
    %mul3A_1336 = arith.constant 128 : i32
    %mul3A_1337 = arith.muli %scan3A_1330, %mul3A_1336 : i32
    %get3A_1338 = arith.constant 0 : index
    %get3A_1339 = arith.index_cast %mul3A_1337 : i32 to index
    %get3A_1340 = vector.load %arg10[%get3A_1338, %get3A_1339] : memref<8x8192xf32, #tpu.memory_space<vmem>>, vector<8x128xf32>
    %reshape3A_1341 = vector.shape_cast %get3A_1340 : vector<8x128xf32> to vector<1x8x128xf32>
    %dot_general3A_1342 = arith.constant dense<0.000000e+00> : vector<1024x128xf32>
    %dot_general3A_1343 = tpu.matmul %dot_general3A_7, %get3A_1335, %dot_general3A_1342 {dimension_numbers = #tpu.dot_dimension_numbers<[1], [0], [0], [1], [0, 0, 1, 1], [], []>, transpose_lhs_hint = false} : vector<1024x32xf32>, vector<32x128xf32>, vector<1024x128xf32> -> vector<1024x128xf32>
    %reshape3A_1344 = vector.shape_cast %dot_general3A_1343 : vector<1024x128xf32> to vector<128x8x128xf32>
    %add3A_1345 = vector.broadcast %reshape3A_1341 : vector<1x8x128xf32> to vector<128x8x128xf32>
    %add3A_1346 = arith.addf %reshape3A, %add3A_1345 : vector<128x8x128xf32>
    %sub3A_1347 = arith.subf %add3A_1346, %reshape3A_1344 : vector<128x8x128xf32>
    %lt3A_1348 = arith.cmpf olt, %sub3A_1347, %select_n3A_1327 : vector<128x8x128xf32>
    %select_n3A_1349 = arith.select %lt3A_1348, %sub3A_1347, %select_n3A_1327 : vector<128x8x128xi1>, vector<128x8x128xf32>
    %broadcast_in_dim3A_1350 = vector.broadcast %scan3A_1330 : i32 to vector<128x8x128xi32>
    %select_n3A_1351 = arith.select %lt3A_1348, %broadcast_in_dim3A_1350, %select_n3A_1329 : vector<128x8x128xi1>, vector<128x8x128xi32>
    %scan3A_1352 = arith.constant 61 : i32
    %mul3A_1353 = arith.constant 128 : i32
    %mul3A_1354 = arith.muli %scan3A_1352, %mul3A_1353 : i32
    %get3A_1355 = arith.constant 0 : index
    %get3A_1356 = arith.index_cast %mul3A_1354 : i32 to index
    %get3A_1357 = vector.load %arg9[%get3A_1355, %get3A_1356] : memref<32x8192xf32, #tpu.memory_space<vmem>>, vector<32x128xf32>
    %mul3A_1358 = arith.constant 128 : i32
    %mul3A_1359 = arith.muli %scan3A_1352, %mul3A_1358 : i32
    %get3A_1360 = arith.constant 0 : index
    %get3A_1361 = arith.index_cast %mul3A_1359 : i32 to index
    %get3A_1362 = vector.load %arg10[%get3A_1360, %get3A_1361] : memref<8x8192xf32, #tpu.memory_space<vmem>>, vector<8x128xf32>
    %reshape3A_1363 = vector.shape_cast %get3A_1362 : vector<8x128xf32> to vector<1x8x128xf32>
    %dot_general3A_1364 = arith.constant dense<0.000000e+00> : vector<1024x128xf32>
    %dot_general3A_1365 = tpu.matmul %dot_general3A_7, %get3A_1357, %dot_general3A_1364 {dimension_numbers = #tpu.dot_dimension_numbers<[1], [0], [0], [1], [0, 0, 1, 1], [], []>, transpose_lhs_hint = false} : vector<1024x32xf32>, vector<32x128xf32>, vector<1024x128xf32> -> vector<1024x128xf32>
    %reshape3A_1366 = vector.shape_cast %dot_general3A_1365 : vector<1024x128xf32> to vector<128x8x128xf32>
    %add3A_1367 = vector.broadcast %reshape3A_1363 : vector<1x8x128xf32> to vector<128x8x128xf32>
    %add3A_1368 = arith.addf %reshape3A, %add3A_1367 : vector<128x8x128xf32>
    %sub3A_1369 = arith.subf %add3A_1368, %reshape3A_1366 : vector<128x8x128xf32>
    %lt3A_1370 = arith.cmpf olt, %sub3A_1369, %select_n3A_1349 : vector<128x8x128xf32>
    %select_n3A_1371 = arith.select %lt3A_1370, %sub3A_1369, %select_n3A_1349 : vector<128x8x128xi1>, vector<128x8x128xf32>
    %broadcast_in_dim3A_1372 = vector.broadcast %scan3A_1352 : i32 to vector<128x8x128xi32>
    %select_n3A_1373 = arith.select %lt3A_1370, %broadcast_in_dim3A_1372, %select_n3A_1351 : vector<128x8x128xi1>, vector<128x8x128xi32>
    %scan3A_1374 = arith.constant 62 : i32
    %mul3A_1375 = arith.constant 128 : i32
    %mul3A_1376 = arith.muli %scan3A_1374, %mul3A_1375 : i32
    %get3A_1377 = arith.constant 0 : index
    %get3A_1378 = arith.index_cast %mul3A_1376 : i32 to index
    %get3A_1379 = vector.load %arg9[%get3A_1377, %get3A_1378] : memref<32x8192xf32, #tpu.memory_space<vmem>>, vector<32x128xf32>
    %mul3A_1380 = arith.constant 128 : i32
    %mul3A_1381 = arith.muli %scan3A_1374, %mul3A_1380 : i32
    %get3A_1382 = arith.constant 0 : index
    %get3A_1383 = arith.index_cast %mul3A_1381 : i32 to index
    %get3A_1384 = vector.load %arg10[%get3A_1382, %get3A_1383] : memref<8x8192xf32, #tpu.memory_space<vmem>>, vector<8x128xf32>
    %reshape3A_1385 = vector.shape_cast %get3A_1384 : vector<8x128xf32> to vector<1x8x128xf32>
    %dot_general3A_1386 = arith.constant dense<0.000000e+00> : vector<1024x128xf32>
    %dot_general3A_1387 = tpu.matmul %dot_general3A_7, %get3A_1379, %dot_general3A_1386 {dimension_numbers = #tpu.dot_dimension_numbers<[1], [0], [0], [1], [0, 0, 1, 1], [], []>, transpose_lhs_hint = false} : vector<1024x32xf32>, vector<32x128xf32>, vector<1024x128xf32> -> vector<1024x128xf32>
    %reshape3A_1388 = vector.shape_cast %dot_general3A_1387 : vector<1024x128xf32> to vector<128x8x128xf32>
    %add3A_1389 = vector.broadcast %reshape3A_1385 : vector<1x8x128xf32> to vector<128x8x128xf32>
    %add3A_1390 = arith.addf %reshape3A, %add3A_1389 : vector<128x8x128xf32>
    %sub3A_1391 = arith.subf %add3A_1390, %reshape3A_1388 : vector<128x8x128xf32>
    %lt3A_1392 = arith.cmpf olt, %sub3A_1391, %select_n3A_1371 : vector<128x8x128xf32>
    %select_n3A_1393 = arith.select %lt3A_1392, %sub3A_1391, %select_n3A_1371 : vector<128x8x128xi1>, vector<128x8x128xf32>
    %broadcast_in_dim3A_1394 = vector.broadcast %scan3A_1374 : i32 to vector<128x8x128xi32>
    %select_n3A_1395 = arith.select %lt3A_1392, %broadcast_in_dim3A_1394, %select_n3A_1373 : vector<128x8x128xi1>, vector<128x8x128xi32>
    %scan3A_1396 = arith.constant 63 : i32
    %mul3A_1397 = arith.constant 128 : i32
    %mul3A_1398 = arith.muli %scan3A_1396, %mul3A_1397 : i32
    %get3A_1399 = arith.constant 0 : index
    %get3A_1400 = arith.index_cast %mul3A_1398 : i32 to index
    %get3A_1401 = vector.load %arg9[%get3A_1399, %get3A_1400] : memref<32x8192xf32, #tpu.memory_space<vmem>>, vector<32x128xf32>
    %mul3A_1402 = arith.constant 128 : i32
    %mul3A_1403 = arith.muli %scan3A_1396, %mul3A_1402 : i32
    %get3A_1404 = arith.constant 0 : index
    %get3A_1405 = arith.index_cast %mul3A_1403 : i32 to index
    %get3A_1406 = vector.load %arg10[%get3A_1404, %get3A_1405] : memref<8x8192xf32, #tpu.memory_space<vmem>>, vector<8x128xf32>
    %reshape3A_1407 = vector.shape_cast %get3A_1406 : vector<8x128xf32> to vector<1x8x128xf32>
    %dot_general3A_1408 = arith.constant dense<0.000000e+00> : vector<1024x128xf32>
    %dot_general3A_1409 = tpu.matmul %dot_general3A_7, %get3A_1401, %dot_general3A_1408 {dimension_numbers = #tpu.dot_dimension_numbers<[1], [0], [0], [1], [0, 0, 1, 1], [], []>, transpose_lhs_hint = false} : vector<1024x32xf32>, vector<32x128xf32>, vector<1024x128xf32> -> vector<1024x128xf32>
    %reshape3A_1410 = vector.shape_cast %dot_general3A_1409 : vector<1024x128xf32> to vector<128x8x128xf32>
    %add3A_1411 = vector.broadcast %reshape3A_1407 : vector<1x8x128xf32> to vector<128x8x128xf32>
    %add3A_1412 = arith.addf %reshape3A, %add3A_1411 : vector<128x8x128xf32>
    %sub3A_1413 = arith.subf %add3A_1412, %reshape3A_1410 : vector<128x8x128xf32>
    %lt3A_1414 = arith.cmpf olt, %sub3A_1413, %select_n3A_1393 : vector<128x8x128xf32>
    %select_n3A_1415 = arith.select %lt3A_1414, %sub3A_1413, %select_n3A_1393 : vector<128x8x128xi1>, vector<128x8x128xf32>
    %broadcast_in_dim3A_1416 = vector.broadcast %scan3A_1396 : i32 to vector<128x8x128xi32>
    %select_n3A_1417 = arith.select %lt3A_1414, %broadcast_in_dim3A_1416, %select_n3A_1395 : vector<128x8x128xi1>, vector<128x8x128xi32>
    %scan3A_1418 = arith.constant 64 : i32
    %reshape3A_1419 = vector.shape_cast %select_n3A_1415 : vector<128x8x128xf32> to vector<1024x128xf32>
    %reshape3A_1420 = vector.shape_cast %select_n3A_1417 : vector<128x8x128xi32> to vector<1024x128xi32>
    %reduce_min3A = arith.constant dense<0x7F800000> : vector<1024xf32>
    %reduce_min3A_1421 = vector.multi_reduction <minimumf>, %reshape3A_1419, %reduce_min3A [1] : vector<1024x128xf32> to vector<1024xf32>
    %broadcast_in_dim3A_1422 = vector.shape_cast %reduce_min3A_1421 : vector<1024xf32> to vector<1024x1xf32>
    %iota3A = tpu.iota {dimensions = array<i32: 1>} : vector<1024x128xi32>
    %eq3A_1423 = vector.broadcast %broadcast_in_dim3A_1422 : vector<1024x1xf32> to vector<1024x128xf32>
    %eq3A_1424 = arith.cmpf oeq, %reshape3A_1419, %eq3A_1423 : vector<1024x128xf32>
    %mul3A_1425 = arith.constant 128 : i32
    %mul3A_1426 = vector.broadcast %mul3A_1425 : i32 to vector<1024x128xi32>
    %mul3A_1427 = arith.muli %reshape3A_1420, %mul3A_1426 : vector<1024x128xi32>
    %add3A_1428 = arith.addi %mul3A_1427, %iota3A : vector<1024x128xi32>
    %jit3A = arith.constant 2147483647 : i32
    %broadcast_in_dim3A_1429 = vector.broadcast %jit3A : i32 to vector<1024x128xi32>
    %select_n3A_1430 = arith.select %eq3A_1424, %add3A_1428, %broadcast_in_dim3A_1429 : vector<1024x128xi1>, vector<1024x128xi32>
    %reduce_min3A_1431 = arith.constant dense<2147483647> : vector<1024xi32>
    %reduce_min3A_1432 = vector.multi_reduction <minsi>, %select_n3A_1430, %reduce_min3A_1431 [1] : vector<1024x128xi32> to vector<1024xi32>
    %broadcast_in_dim3A_1433 = vector.shape_cast %reduce_min3A_1432 : vector<1024xi32> to vector<1024x1xi32>
    %swap3A = arith.constant 0 : index
    %swap3A_1434 = arith.constant 0 : index
    %swap3A_1435 = vector.load %arg6[%swap3A, %swap3A_1434] : memref<1024x1xi32, #tpu.memory_space<vmem>>, vector<1024x1xi32>
    tpu.vector_store %arg6[%swap3A, %swap3A_1434], %broadcast_in_dim3A_1433 {strides = array<i32>} : memref<1024x1xi32, #tpu.memory_space<vmem>>, vector<1024x1xi32>,
    %get3A_1436 = arith.constant 0 : index
    %get3A_1437 = arith.constant 0 : index
    %get3A_1438 = vector.load %arg8[%get3A_1436, %get3A_1437] : memref<1x1xf32, #tpu.memory_space<vmem>>, vector<1x1xf32>
    %reduce_sum3A_1439 = vector.shape_cast %broadcast_in_dim3A_1422 : vector<1024x1xf32> to vector<1x1024x1xf32>
    %reduce_sum3A_1440 = arith.constant dense<0.000000e+00> : vector<1xf32>
    %reduce_sum3A_1441 = vector.multi_reduction <add>, %reduce_sum3A_1439, %reduce_sum3A_1440 [1, 2] : vector<1x1024x1xf32> to vector<1xf32>
    %reduce_sum3A_1442 = vector.shape_cast %reduce_sum3A_1441 : vector<1xf32> to vector<1x1x1xf32>
    %reduce_sum3A_1443 = vector.extract %reduce_sum3A_1442[0, 0, 0] : f32 from vector<1x1x1xf32>
    %reshape3A_1444 = vector.broadcast %reduce_sum3A_1443 : f32 to vector<1x1xf32>
    %add3A_1445 = arith.addf %get3A_1438, %reshape3A_1444 : vector<1x1xf32>
    %swap3A_1446 = arith.constant 0 : index
    %swap3A_1447 = arith.constant 0 : index
    %swap3A_1448 = vector.load %arg8[%swap3A_1446, %swap3A_1447] : memref<1x1xf32, #tpu.memory_space<vmem>>, vector<1x1xf32>
    tpu.vector_store %arg8[%swap3A_1446, %swap3A_1447], %add3A_1445 {strides = array<i32>} : memref<1x1xf32, #tpu.memory_space<vmem>>, vector<1x1xf32>,
    %eq3A_1449 = arith.constant 15 : i32
    %eq3A_1450 = arith.cmpi eq, %arg0, %eq3A_1449 : i32
    %convert_element_type3A_1451 = arith.extui %eq3A_1450 : i1 to i32
    %cond3A_1452 = arith.constant 0 : i32
    %cond3A_1453 = arith.cmpi ne, %convert_element_type3A_1451, %cond3A_1452 : i32
    scf.if %cond3A_1453 {
      %get3A_1454 = arith.constant 0 : index
      %get3A_1455 = arith.constant 0 : index
      %get3A_1456 = vector.load %arg8[%get3A_1454, %get3A_1455] : memref<1x1xf32, #tpu.memory_space<vmem>>, vector<1x1xf32>
      %mul3A_1457 = arith.constant 3.81469727E-6 : f32
      %mul3A_1458 = vector.broadcast %mul3A_1457 : f32 to vector<1x1xf32>
      %mul3A_1459 = arith.mulf %get3A_1456, %mul3A_1458 : vector<1x1xf32>
      %swap3A_1460 = arith.constant 0 : index
      %swap3A_1461 = arith.constant 0 : index
      %swap3A_1462 = vector.load %arg8[%swap3A_1460, %swap3A_1461] : memref<1x1xf32, #tpu.memory_space<vmem>>, vector<1x1xf32>
      tpu.vector_store %arg8[%swap3A_1460, %swap3A_1461], %mul3A_1459 {strides = array<i32>} : memref<1x1xf32, #tpu.memory_space<vmem>>, vector<1x1xf32>,
    } else {
    }
    return
  }
  func.func @transform_0(%arg0: i32) -> (i32, i32) {
    %c0_i32 = arith.constant 0 : i32
    %c0_i32_0 = arith.constant 0 : i32
    return %arg0, %c0_i32 : i32, i32
  }
  func.func @transform_1(%arg0: i32) -> (i32, i32) {
    %c0_i32 = arith.constant 0 : i32
    %c0_i32_0 = arith.constant 0 : i32
    %c0_i32_1 = arith.constant 0 : i32
    return %c0_i32, %c0_i32_0 : i32, i32
  }
  func.func @transform_2(%arg0: i32) -> (i32, i32) {
    %c0_i32 = arith.constant 0 : i32
    %c0_i32_0 = arith.constant 0 : i32
    %c0_i32_1 = arith.constant 0 : i32
    return %c0_i32, %c0_i32_0 : i32, i32
  }
  func.func @transform_3(%arg0: i32) -> (i32, i32) {
    %c0_i32 = arith.constant 0 : i32
    %c0_i32_0 = arith.constant 0 : i32
    %c0_i32_1 = arith.constant 0 : i32
    return %c0_i32, %c0_i32_0 : i32, i32
  }
  func.func @transform_4(%arg0: i32) -> (i32, i32) {
    %c0_i32 = arith.constant 0 : i32
    %c0_i32_0 = arith.constant 0 : i32
    %c0_i32_1 = arith.constant 0 : i32
    return %c0_i32, %c0_i32_0 : i32, i32
  }
  func.func @transform_5(%arg0: i32) -> (i32, i32) {
    %c0_i32 = arith.constant 0 : i32
    %c0_i32_0 = arith.constant 0 : i32
    return %arg0, %c0_i32 : i32, i32
  }
  func.func @transform_6(%arg0: i32) -> (i32, i32) {
    %c0_i32 = arith.constant 0 : i32
    %c0_i32_0 = arith.constant 0 : i32
    %c0_i32_1 = arith.constant 0 : i32
    return %c0_i32, %c0_i32_0 : i32, i32
  }
  func.func @transform_7(%arg0: i32) -> (i32, i32) {
    %c0_i32 = arith.constant 0 : i32
    %c0_i32_0 = arith.constant 0 : i32
    %c0_i32_1 = arith.constant 0 : i32
    return %c0_i32, %c0_i32_0 : i32, i32
  }
}

</mosaic_0001>

<sc_bundles>
// kernel: kernel.4.cloned.1.call-start
scs
__scs_entry_jumppad:
0x0: {  	(pc) =	sbr.rel $0x88, $3  }
0x1: {  	(tag) =	ssettag $0x0;
	lr =	simm.s32 $0x1  }
0x2: {  	[smem:$0x3F9D] =	sst lr;
	_ =	strace $0xD0000000  }
0x3: {  	_ = 	snop  }
0x4: {  	_ = 	snop  }
0x5: {  	_ = 	snop  }
0x6: {  	_ = 	snop  }
0x7: {  	_ = 	snop  }
__scs_overlays_trampoline_lowered:
0x8: {  	[smem:$0x3FAC] =	sst s0  }
0x9: {  	[smem:$0x3FAD] =	sst s1  }
0xa: {  	[smem:$0x3FAE] =	sst s2  }
0xb: {  	[smem:$0x3FAF] =	sst s3  }
0xc: {  	[smem:$0x3FB0] =	sst s4  }
0xd: {  	[smem:$0x3FB1] =	sst s5  }
0xe: {  	[smem:$0x3FB2] =	sst s6  }
0xf: {  	[smem:$0x3FB3] =	sst s7  }
0x10: {  	[smem:$0x3FB4] =	sst s8  }
0x11: {  	[smem:$0x3FB5] =	sst s9;
	s0 =	simm.s32 @!p0 $0x0  }
0x12: {  	s1 =	sld [smem:$0x3F9B];
	s0 =	simm.s32 @p0 $0x1  }
0x13: {  	[smem:$0x3FB6] =	sst s0;
	s0 =	simm.s32 @!p1 $0x0  }
0x14: {  	s2 =	sld [smem:$0x3F9A];
	s0 =	simm.s32 @p1 $0x1  }
0x15: {  	[smem:$0x3FB7] =	sst s0;
	s0 =	simm.s32 @!p2 $0x0  }
0x16: {  	s3 =	sld [smem:$0x3FDB];
	s0 =	simm.s32 @p2 $0x1  }
0x17: {  	s4 =	simm.s32 $0x1BF5;
	[smem:$0x3FB9] =	sst s0  }
0x18: {  	s0 =	sld [smem:$0x3F9C];
	_ =	swait.ge [sflag:s4], $0x0  }
0x19: {  	s7 =	sld [smem:$0x3F9D]  }
0x1a: {  	s8 =	sadd.s32 $0xFFFFE003, lr  }
0x1b: {  	s9 =	sadd.s32 $0xFFFFFEF7, lr;
	s5 =	simm.s32 $0xFFFFFFFF;
	p2 =	slt.u32 s8, $0xFFFFF086  }
0x1c: {  	p1 =	slt.u32 s9, $0xF7A;
	s5 =	simm.s32 @!p2 $0x0  }
0x1d: {  	s5 =	simm.s32 @p1 $0x1;
	p0 =	seq.s32 s7, s2  }
0x1e: {  	s7 =	smul.u32 @!p0 $0xF7A, s2;
	p2 =	seq.s32 @!p0 s5, $0x0  }
0x1f: {  	s9 =	smul.u32 $0xF7A, s1;
	s8 =	simm.s32 @!p0 $0x1BF5;
	p2 =	por !p2, p0  }
0x20: {  	[sflag:s8] =	ssyncset.s32 @!p0 $0xFFFFF086;
	s6 =	sadd.s32 @!p0 s3, s7;
	s7 =	simm.s32 @!p0 $0x108  }
0x21: {  	s3 =	sadd.s32 s3, s9;
	s6 =	sadd.s32 @!p0 $0x88, s6;
	s7 =	simm.s32 @p2 $0x1082  }
0x22: {  	[simem:s7], [sflag:s8] =	dma.local @!p0 [hbm:s6], $0xF7A  }
0x23: {  	s9 =	sor.u32 $0xD0000000, s2;
	s6 =	simm.s32 $0x108;
	_ =	swait.ge @!p0 [sflag:s8], $0x0  }
0x24: {  	s3 =	sadd.s32 $0x88, s3;
	s6 =	simm.s32 @!p1 $0x1082;
	[sflag:s4] =	ssyncset.s32 $0xFFFFF086  }
0x25: {  	[simem:s6], [sflag:s4] =	dma.local [hbm:s3], $0xF7A  }
0x26: {  	[smem:$0x3F9D] =	sst s1;
	(tag) =	ssettag s2;
	_ =	strace s9  }
0x27: {  	s1 =	sld [smem:$0x3FAD]  }
0x28: {  	s2 =	sld [smem:$0x3FAE]  }
0x29: {  	s4 =	sld [smem:$0x3FB0]  }
0x2a: {  	p0 =	seq.s32 s5, $0x0;
	s5 =	sld [smem:$0x3FB1]  }
0x2b: {  	s6 =	sld [smem:$0x3FB2]  }
0x2c: {  	s7 =	sld [smem:$0x3FB3]  }
0x2d: {  	s3 =	simm.s32 $0x108;
	s8 =	sld [smem:$0x3FB4]  }
0x2e: {  	s3 =	simm.s32 @!p0 $0x1082;
	s9 =	sld [smem:$0x3FB5]  }
0x2f: {  	lr =	sadd.s32 s0, s3;
	s0 =	sld [smem:$0x3FAC]  }
0x30: {  	s3 =	sld [smem:$0x3FAF]  }
0x31: {  	[smem:$0x3FB8] =	sst s10  }
0x32: {  	s10 =	sld [smem:$0x3FB6];
	_ =	sdelay $0x3  }
0x33: {  	p0 =	seq.s32 s10, $0x1;
	s10 =	sld [smem:$0x3FB8];
	_ =	sdelay $0x3  }
0x34: {  	[smem:$0x3FB8] =	sst s10  }
0x35: {  	s10 =	sld [smem:$0x3FB7];
	_ =	sdelay $0x3  }
0x36: {  	p1 =	seq.s32 s10, $0x1;
	s10 =	sld [smem:$0x3FB8];
	_ =	sdelay $0x3  }
0x37: {  	[smem:$0x3FB8] =	sst s10  }
0x38: {  	s10 =	sld [smem:$0x3FB9]  }
0x39: {  	_ = 	snop;
	(pc) =	sbr.ind lr, $3  }
0x3a: {  	_ = 	snop  }
0x3b: {  	_ = 	snop  }
0x3c: {  	p2 =	seq.s32 s10, $0x1;
	s10 =	sld [smem:$0x3FB8]  }
0x3d: {  	_ =	shalt  }
0x3e: {  	_ =	shalt  }
0x3f: {  	_ =	shalt  }
0x40: {  	_ =	shalt  }
0x41: {  	_ =	shalt  }
0x42: {  	_ =	shalt  }
0x43: {  	_ =	shalt  }
0x44: {  	_ =	shalt  }
0x45: {  	_ =	shalt  }
0x46: {  	_ =	shalt  }
0x47: {  	_ =	shalt  }
0x48: {  	_ =	shalt  }
0x49: {  	_ =	shalt  }
0x4a: {  	_ =	shalt  }
0x4b: {  	_ =	shalt  }
0x4c: {  	_ =	shalt  }
0x4d: {  	_ =	shalt  }
0x4e: {  	_ =	shalt  }
0x4f: {  	_ =	shalt  }
0x50: {  	_ =	shalt  }
0x51: {  	_ =	shalt  }
0x52: {  	_ =	shalt  }
0x53: {  	_ =	shalt  }
0x54: {  	_ =	shalt  }
0x55: {  	_ =	shalt  }
0x56: {  	_ =	shalt  }
0x57: {  	_ =	shalt  }
0x58: {  	_ =	shalt  }
0x59: {  	_ =	shalt  }
0x5a: {  	_ =	shalt  }
0x5b: {  	_ =	shalt  }
0x5c: {  	_ =	shalt  }
0x5d: {  	_ =	shalt  }
0x5e: {  	_ =	shalt  }
0x5f: {  	_ =	shalt  }
0x60: {  	_ =	shalt  }
0x61: {  	_ =	shalt  }
0x62: {  	_ =	shalt  }
0x63: {  	_ =	shalt  }
0x64: {  	_ =	shalt  }
0x65: {  	_ =	shalt  }
0x66: {  	_ =	shalt  }
0x67: {  	_ =	shalt  }
0x68: {  	_ =	shalt  }
0x69: {  	_ =	shalt  }
0x6a: {  	_ =	shalt  }
0x6b: {  	_ =	shalt  }
0x6c: {  	_ =	shalt  }
0x6d: {  	_ =	shalt  }
0x6e: {  	_ =	shalt  }
0x6f: {  	_ =	shalt  }
0x70: {  	_ =	shalt  }
0x71: {  	_ =	shalt  }
0x72: {  	_ =	shalt  }
0x73: {  	_ =	shalt  }
0x74: {  	_ =	shalt  }
0x75: {  	_ =	shalt  }
0x76: {  	_ =	shalt  }
0x77: {  	_ =	shalt  }
0x78: {  	_ =	shalt  }
0x79: {  	_ =	shalt  }
0x7a: {  	_ =	shalt  }
0x7b: {  	_ =	shalt  }
0x7c: {  	_ =	shalt  }
0x7d: {  	_ =	shalt  }
0x7e: {  	_ =	shalt  }
0x7f: {  	_ =	shalt  }
0x80: {  	_ =	shalt  }
0x81: {  	_ =	shalt  }
0x82: {  	_ =	shalt  }
0x83: {  	_ =	shalt  }
0x84: {  	_ =	shalt  }
0x85: {  	_ =	shalt  }
0x86: {  	_ =	shalt  }
0x87: {  	_ =	shalt  }
.Lfunc_end0:
.L_simem_size_0:
called_computation_lowered:
.L_overlay_start_0:
0x88: {  	s2 =	sld [smem:$0x3FD9]  }
0x89: {  	s3 =	sld [smem:$0x3FFE];
	_ =	sdelay $0x1  }
0x8a: {  	s1 =	srdreg.scid  }
0x8b: {  	s0 =	sand.u32 $0x1, s1  }
0x8c: {  	s14 =	sshll.u32 s0, $0xA;
	s2 =	sadd.s32 s3, s2  }
0x8d: {  	s2 =	sadd.s32 s2, s14  }
0x8e: {  	[smem:$0x3FC4] =	sst s2  }
0x8f: {  	_ = 	snop  }
0x90: {  	s2 =	sld [smem:$0x3FD0];
	_ =	sdelay $0x2  }
0x91: {  	s15 =	simm.s32 $0xA;
	s4 =	simm.s32 $0x10  }
0x92: {  	[smem:s4], [sflag:s15] =	dma.local [hbm:s2], $0x1  }
0x93: {  	_ =	swait.eq [sflag:s15], $0x1  }
0x94: {  	[sflag:s15] =	ssyncset.done $0x0  }
0x95: {  	[sflag:s15] =	ssyncadd.s32 $0xFFFFFFFF  }
0x96: {  	s16 =	sld [smem:$0x10];
	(tm) =	ssettm $0x1  }
0x97: {  	s17 =	sld [smem:$0x3FFB];
	_ =	sdelay $0x3  }
0x98: {  	_ =	strace s17  }
0x99: {  	s3 =	sld [smem:$0x3FFC];
	_ =	sdelay $0x3  }
0x9a: {  	_ =	strace s3  }
0x9b: {  	s3 =	sld [smem:$0x3FFD];
	_ =	sdelay $0x3  }
0x9c: {  	_ =	strace s3  }
0x9d: {  	_ =	strace $0x8FFFFFFF  }
0x9e: {  	s18 =	sld [smem:$0x3FDB];
	_ =	sdelay $0x1  }
0x9f: {  	s19 =	simm.s32 $_scs_section_size  }
0xa0: {  	s5 =	simm.s32 $_size__tile_overlayer_lowered;
	s6 =	simm.s32 $_tile_overlayer_lowered  }
0xa1: {  	s22 =	simm.s32 $0x1BFF;
	s21 =	sshll.u32 s6, $0x1;
	s3 =	sadd.s32 s19, s18  }
0xa2: {  	s7 =	simm.s32 $0x0;
	s20 =	sshll.u32 s5, $0x1;
	s5 =	sadd.s32 s21, s3  }
0xa3: {  	[timem:s7], [sflag:s22] =	dma.local [hbm:s5], s20  }
0xa4: {  	_ =	swait.ge [sflag:s22], s20  }
0xa5: {  	s4 =	ssub.s32 $0x0, s20;
	[sflag:s22] =	ssyncset.done $0x0  }
0xa6: {  	[sflag:s22] =	ssyncadd.s32 s4;
	_ =	sdelay $0x1  }
0xa7: {  	s23 =	simm.s32 $0x1B8B  }
0xa8: {  	_ =	swait.ge [sflag:s23], $0x1  }
0xa9: {  	[sflag:s23] =	ssyncset.done $0x0  }
0xaa: {  	s25 =	simm.s32 $0x1B8E;
	s24 =	sld [smem:$0x3FFE];
	[sflag:s23] =	ssyncadd.s32 $0xFFFFFFFF  }
0xab: {  	s26 =	simm.s32 $execute0_lowered;
	[smem:$0x3FD2] =	sst s25  }
0xac: {  	s5 =	sshll.u32 s26, $0x1;
	_ =	strace $0x80000046;
	[dreg:$0x1] =	wrdreg $0xFFFFFFFF  }
0xad: {  	s28 =	simm.s32 $_size_execute0_lowered;
	s3 =	sadd.s32 s3, s5;
	[dreg:$0x0] =	wrdreg $0x0  }
0xae: {  	s5 =	sshll.u32 s28, $0x1;
	[dreg:$0x2] =	wrdreg s3  }
0xaf: {  	[dreg:$0x3] =	wrdreg s5  }
0xb0: {  	[dreg:$0x4] =	wrdreg $0xC0  }
0xb1: {  	_ =	task [dreg:s7], $0x5FFFF  }
0xb2: {  	[dreg:$0x1] =	wrdreg $0xFFFFFFFF  }
0xb3: {  	[dreg:$0x0] =	wrdreg $0x60  }
0xb4: {  	[dreg:$0x2] =	wrdreg s16  }
0xb5: {  	[dreg:$0x3] =	wrdreg s24  }
0xb6: {  	[dreg:$0x4] =	wrdreg $0x9  }
0xb7: {  	_ =	task.clear_ibuf [dreg:s7], $0x5FFFF;
	_ =	strace $0x90000046  }
0xb8: {  	s29 =	simm.s32 $0x9;
	_ =	strace $0x80000048  }
0xb9: {  	_ =	swait.ge [sflag:s29], $0x1  }
0xba: {  	[sflag:s29] =	ssyncadd.s32 $0xFFFFFFFF  }
0xbb: {  	_ =	strace $0x90000048  }
0xbc: {  	_ =	sfence  }
0xbd: {  	s30 =	sld [smem:$0x0];
	_ =	sdelay $0x2  }
0xbe: {  	s31 =	sshll.u32 s1, $0xD;
	s1 =	sshrl.u32 s1, $0x2  }
0xbf: {  	s3 =	sand.u32 $0x4000, s31;
	s1 =	sadd.s32 s1, s30  }
0xc0: {  	s0 =	sor.u32 s3, s0;
	s1 =	sshll.u32 s1, $0x11  }
0xc1: {  	s0 =	sor.u32 s1, s0  }
0xc2: {  	s0 =	sadd.s32 $0x8F2B, s0  }
0xc3: {  	[sflag:s0] =	ssyncadd.remote.s32 $0x1  }
0xc4: {  	_ =	sfence.sel $0xFFFF  }
0xc5: {  	[dreg:$0x0] =	wrdreg $0xFFFFFFFF;
	(pc) =	sbr.abs _section_cstart, $3  }
0xc6: {  	[dreg:$0x1] =	wrdreg $0xFFFFFFFF  }
0xc7: {  	_ =	task.clear_ibuf [dreg:s7], $0x2FFFF;
	_ =	strace $0x9FFFFFFF  }
0xc8: {  	(tm) =	ssettm $0x7FFFFFFF  }
0xc9: {  	_ =	shalt  }
tec
execute0_lowered:
.L_overlay_start_1:
0x0: {  	(tag) =	ssettag $0x1  }
0x1: {  	s1 =	srdreg.scid;
	s0 =	stileid.u32  }
0x2: {  	s2 =	rddreg [dreg:$0x0];
	s14 =	sand.u32 $0x1, s1;
	s29 =	sshll.u32 s0, $0x1  }
0x3: {  	s15 =	rddreg [dreg:$0x1];
	s16 =	sor.u32 s14, s29  }
0x4: {  	s3 =	simm.s32 $0x0;
	s1 =	rddreg [dreg:$0x2];
	s4 =	sshll.u32 s16, $0x6  }
0x5: {  	[smem:$0x7FF] =	sst s3;
	s4 =	sadd.s32 s4, s15  }
0x6: {  	_ =	strace $0x80000047;
	s5 =	sadd.s32 $0xC00, s4;
	s4 =	simm.s32 $0x2  }
0x7: {  	[tilespmem:s3], [sflag:$0x2] =	stream.linear.gather [hbm4b:s5+s3], $0x200, $0x38;
	[tilespmem:$0x10200] =	vst v63  }
0x8: {  	_ =	swait.ge [sflag:s4], $0x200  }
0x9: {  	[sflag:s4] =	ssyncset.done $0x0  }
0xa: {  	s6 =	simm.s32 $0x80;
	s7 =	simm.s32 $0x200;
	[sflag:s4] =	ssyncadd.s32 $0xFFFFFE00  }
0xb: {  	[tilespmem:s7], [sflag:$0x1] =	stream.indirect.gather [hbm4b:s2+s6], $0x80, s3, s6, $0xb8;
	[tilespmem:$0x10200] =	vst v63  }
0xc: {  	s8 =	simm.s32 $0x4200  }
0xd: {  	[tilespmem:s8], [sflag:$0x1] =	stream.indirect.gather [hbm4b:s2+s6], $0x80, s6, s6, $0xb8;
	[tilespmem:$0x10200] =	vst v63  }
0xe: {  	s9 =	simm.s32 $0x100;
	s10 =	simm.s32 $0x8200  }
0xf: {  	[tilespmem:s10], [sflag:$0x1] =	stream.indirect.gather [hbm4b:s2+s6], $0x80, s9, s6, $0xb8;
	[tilespmem:$0x10200] =	vst v63  }
0x10: {  	s11 =	simm.s32 $0x180;
	s12 =	simm.s32 $0xC200;
	s13 =	simm.s32 $0x1  }
0x11: {  	[tilespmem:s12], [sflag:$0x1] =	stream.indirect.gather [hbm4b:s2+s6], $0x80, s11, s6, $0xb8;
	[tilespmem:$0x10200] =	vst v63  }
0x12: {  	_ =	swait.ge [sflag:s13], $0x4000  }
0x13: {  	[sflag:s13] =	ssyncset.done $0x0  }
0x14: {  	[sflag:s13] =	ssyncadd.s32 $0xFFFFC000  }
0x15: {  	_ =	swait.ge [sflag:s13], $0x4000  }
0x16: {  	[sflag:s13] =	ssyncset.done $0x0  }
0x17: {  	s14 =	ssub.s32 $0x2, s14;
	[sflag:s13] =	ssyncadd.s32 $0xFFFFC000  }
0x18: {  	s17 =	sshrl.u32 s14, $0x1;
	_ =	swait.ge [sflag:s13], $0x4000  }
0x19: {  	s30 =	ssub.s32 s14, s17;
	[sflag:s13] =	ssyncset.done $0x0  }
0x1a: {  	s31 =	smax.u32 s30, $0x1;
	[sflag:s13] =	ssyncadd.s32 $0xFFFFC000  }
0x1b: {  	s16 =	sshll.u32 s16, $0xD;
	p0 =	sne.s32 s31, $0x1;
	_ =	swait.ge [sflag:s13], $0x4000  }
.Ltmp0:
0x1c: {  	s15 =	sadd.s32 s16, s15;
	[sflag:s13] =	ssyncset.done $0x0;
	(pc) =	sbr.rel @!p0 .LBB2_2-.Ltmp0, $4  }
0x1d: {  	s14 =	sadd.s32 $0x1400, s15;
	[sflag:s13] =	ssyncadd.s32 $0xFFFFC000  }
0x1e: {  	[hbm4b:s14+s3] =	stream.linear.scatter [tilespmem:s7], [sflag:$0x2], $0x10000, $0x38;
	[tilespmem:$0x10200] =	vst v63  }
0x1f: {  	_ =	swait.ge [sflag:s4], $0x10000  }
0x20: {  	s15 =	sadd.s32 $0xFFFFFFFF, s31;
	[sflag:s4] =	ssyncset.done $0x0  }
.LBB2_1:
0x21: {  	p0 =	sne.s32 s15, $0x1;
	s15 =	sadd.s32 $0xFFFFFFFF, s15;
	[sflag:s4] =	ssyncadd.s32 $0xFFFF0000  }
0x22: {  	[tilespmem:s3], [sflag:$0x2] =	stream.linear.gather [hbm4b:s5+s3], $0x200, $0x38;
	[tilespmem:$0x10200] =	vst v63  }
0x23: {  	_ =	swait.ge [sflag:s4], $0x200  }
0x24: {  	[sflag:s4] =	ssyncset.done $0x0  }
0x25: {  	[sflag:s4] =	ssyncadd.s32 $0xFFFFFE00  }
0x26: {  	[tilespmem:s7], [sflag:$0x1] =	stream.indirect.gather [hbm4b:s2+s6], $0x80, s3, s6, $0xb8;
	[tilespmem:$0x10200] =	vst v63  }
0x27: {  	_ = 	snop  }
0x28: {  	[tilespmem:s8], [sflag:$0x1] =	stream.indirect.gather [hbm4b:s2+s6], $0x80, s6, s6, $0xb8;
	[tilespmem:$0x10200] =	vst v63  }
0x29: {  	_ = 	snop  }
0x2a: {  	[tilespmem:s10], [sflag:$0x1] =	stream.indirect.gather [hbm4b:s2+s6], $0x80, s9, s6, $0xb8;
	[tilespmem:$0x10200] =	vst v63  }
0x2b: {  	_ = 	snop  }
0x2c: {  	[tilespmem:s12], [sflag:$0x1] =	stream.indirect.gather [hbm4b:s2+s6], $0x80, s11, s6, $0xb8;
	[tilespmem:$0x10200] =	vst v63  }
0x2d: {  	_ =	swait.ge [sflag:s13], $0x4000  }
0x2e: {  	[sflag:s13] =	ssyncset.done $0x0  }
0x2f: {  	[sflag:s13] =	ssyncadd.s32 $0xFFFFC000  }
0x30: {  	_ =	swait.ge [sflag:s13], $0x4000  }
0x31: {  	[sflag:s13] =	ssyncset.done $0x0  }
0x32: {  	[sflag:s13] =	ssyncadd.s32 $0xFFFFC000  }
0x33: {  	_ =	swait.ge [sflag:s13], $0x4000  }
0x34: {  	[sflag:s13] =	ssyncset.done $0x0  }
0x35: {  	[sflag:s13] =	ssyncadd.s32 $0xFFFFC000  }
0x36: {  	_ =	swait.ge [sflag:s13], $0x4000  }
.Ltmp1:
0x37: {  	[sflag:s13] =	ssyncset.done $0x0;
	(pc) =	sbr.rel @p0 .LBB2_1-.Ltmp1, $4  }
0x38: {  	[sflag:s13] =	ssyncadd.s32 $0xFFFFC000  }
0x39: {  	[hbm4b:s14+s3] =	stream.linear.scatter [tilespmem:s7], [sflag:$0x2], $0x10000, $0x38;
	[tilespmem:$0x10200] =	vst v63  }
0x3a: {  	_ =	swait.ge [sflag:s4], $0x10000  }
0x3b: {  	[sflag:s4] =	ssyncset.done $0x0  }
.LBB2_2:
0x3c: {  	[sflag:s4] =	ssyncadd.s32 $0xFFFF0000  }
0x3d: {  	_ =	sfence.sel $0x180000  }
0x3e: {  	[bflag:$0x0] =	sbarrier.arrive $0xFFFF  }
0x3f: {  	p0 =	sne.s32 s0, $0x0;
	_ =	strace $0x90000047  }
0x40: {  	s0 =	sadd.s32 @!p0 $0x100000, s1;
	[bflag:$0x2] =	sbarrier.arrive $0xFFFF  }
0x41: {  	[sflag:s0] =	ssyncadd.tile.s32 @!p0 $0x1;
	_ =	shalt  }
.Lfunc_end2:
_tile_overlayer_lowered:
.L_overlay_start_2:
0x42: {  	(tag) =	ssettag $0x2  }
0x43: {  	s0 =	rddreg [dreg:$0x0];
	s2 =	stileid.u32  }
0x44: {  	s1 =	rddreg [dreg:$0x1];
	p0 =	sne.s32 s2, $0x0  }
0x45: {  	s3 =	rddreg [dreg:$0x2];
	[bflag:$0x3] =	sbarrier.arrive $0xFFFF;
	s2 =	simm.s32 @!p0 $0x1C02  }
0x46: {  	[timem:s3], [sflag:s2] =	dma.local @!p0 [hbm:s0], s1  }
0x47: {  	s0 =	simm.s32 @!p0 $0x2  }
0x48: {  	_ =	swait.ge @!p0 [sflag:s0], s1  }
0x49: {  	s1 =	ssub.s32 @!p0 $0x0, s1;
	[sflag:s0] =	ssyncset.done @!p0 $0x0  }
0x4a: {  	[sflag:s0] =	ssyncadd.s32 @!p0 s1  }
0x4b: {  	[bflag:$0x3] =	sbarrier.arrive $0xFFFF  }
0x4c: {  	_ =	shalt  }

</sc_bundles>
